<compile_context>
chip_gen: v7x
topology: tpu7x:2x2x1
jax: 0.10.2.dev20260603
libtpu: 0.0.44.dev20260713+nightly
codegen_flags: <defaults>
</compile_context>

<pallas_src>
import functools

import jax
import jax.numpy as jnp
import numpy as np
from jax import lax
from jax.experimental import pallas as pl
from jax.experimental.pallas import tpu as pltpu
from jax.experimental.pallas import tpu_sc as plsc

_NMS_POST = 512
_NMS_THRES = 0.85
_LOC_SCOPE = 3.0
_LOC_BIN_SIZE = 0.5
_NUM_HEAD_BIN = 12
_MEAN_SIZE = (1.53, 1.63, 3.88)
_NEG = float(np.float32(-np.inf))

_NC, _NS = 2, 16
_NTILES = _NC * _NS
_PITCH = 81
_XPITCH = 5


def _sc_decode_body(reg_hbm, xyz_hbm, out_hbm, reg_v, xyz_v, out_v,
                    rows_per_tile):
    wid = lax.axis_index("s") * _NC + lax.axis_index("c")
    base = wid * rows_per_tile
    pltpu.sync_copy(reg_hbm.at[pl.ds(base * _PITCH, rows_per_tile * _PITCH)],
                    reg_v)
    pltpu.sync_copy(xyz_hbm.at[pl.ds(base * _XPITCH, rows_per_tile * _XPITCH)],
                    xyz_v)

    iota16 = lax.iota(jnp.int32, 16)
    zero16 = jnp.zeros((16,), jnp.float32)
    p = int(_LOC_SCOPE / _LOC_BIN_SIZE) * 2

    def full16(c):
        return jnp.full((16,), c, jnp.int32)

    def g_body(g, carry):
        rows = g * 16 + iota16
        rbase = rows * _PITCH
        xbase = rows * _XPITCH

        def ld(c):
            return plsc.load_gather(reg_v, [rbase + c])

        def ldx(c):
            return plsc.load_gather(xyz_v, [xbase + c])

        def seg_argmax(lo):
            m = ld(lo)
            b = jnp.zeros((16,), jnp.int32)
            for c in range(1, p):
                v = ld(lo + c)
                gt = v > m
                m = jnp.where(gt, v, m)
                b = jnp.where(gt, full16(c), b)
            return b

        x_bin = seg_argmax(0)
        z_bin = seg_argmax(p)
        x_res = plsc.load_gather(reg_v, [rbase + 2 * p + x_bin])
        z_res = plsc.load_gather(reg_v, [rbase + 3 * p + z_bin])

        xb = x_bin.astype(jnp.float32)
        zb = z_bin.astype(jnp.float32)
        pos_x = xb * _LOC_BIN_SIZE + (_LOC_BIN_SIZE / 2.0) - _LOC_SCOPE
        pos_z = zb * _LOC_BIN_SIZE + (_LOC_BIN_SIZE / 2.0) - _LOC_SCOPE
        pos_x = pos_x + x_res * _LOC_BIN_SIZE
        pos_z = pos_z + z_res * _LOC_BIN_SIZE

        cx = ldx(0)
        cy = ldx(1)
        cz = ldx(2)

        start = 4 * p
        pos_y = cy + ld(start)

        ry_bin = seg_argmax(start + 1)
        ry_res_norm = plsc.load_gather(
            reg_v, [rbase + start + 1 + _NUM_HEAD_BIN + ry_bin])
        angle_per_class = 2.0 * np.pi / _NUM_HEAD_BIN
        ry_res = ry_res_norm * (angle_per_class / 2.0)
        ry = ry_bin.astype(jnp.float32) * angle_per_class + ry_res
        two_pi = np.float32(2.0 * np.pi)
        r = lax.rem(ry, jnp.full((16,), two_pi))
        ry = jnp.where(r < 0.0, r + two_pi, r)
        ry = jnp.where(ry > np.pi, ry - two_pi, ry)

        s0 = start + 1 + 2 * _NUM_HEAD_BIN
        h = ld(s0 + 0) * _MEAN_SIZE[0] + _MEAN_SIZE[0]
        w = ld(s0 + 1) * _MEAN_SIZE[1] + _MEAN_SIZE[1]
        l = ld(s0 + 2) * _MEAN_SIZE[2] + _MEAN_SIZE[2]

        pos_x = pos_x + cx
        pos_z = pos_z + cz
        half_w = h / 2.0
        half_h = l / 2.0

        cols = [pos_x, pos_y, pos_z, h, w, l, ry, zero16,
                pos_x - half_w, pos_z - half_h, pos_x + half_w,
                pos_z + half_h, zero16, zero16, zero16, zero16]
        for c, vec in enumerate(cols):
            out_v[pl.ds(c * rows_per_tile + g * 16, 16)] = vec
        return carry

    lax.fori_loop(0, rows_per_tile // 16, g_body, 0)
    pltpu.sync_copy(out_v, out_hbm.at[wid])


def _sc_decode(reg_p, xyz_p):
    R = reg_p.shape[0]
    rows_per_tile = R // _NTILES
    mesh = plsc.VectorSubcoreMesh(core_axis_name="c", subcore_axis_name="s")
    k = pl.kernel(
        functools.partial(_sc_decode_body, rows_per_tile=rows_per_tile),
        out_type=jax.ShapeDtypeStruct((_NTILES, 16 * rows_per_tile),
                                      jnp.float32),
        mesh=mesh,
        scratch_types=[
            pltpu.VMEM((rows_per_tile * _PITCH,), jnp.float32),
            pltpu.VMEM((rows_per_tile * _XPITCH,), jnp.float32),
            pltpu.VMEM((16 * rows_per_tile,), jnp.float32),
        ],
        compiler_params=pltpu.CompilerParams(needs_layout_passes=False),
    )
    return k(reg_p.reshape(-1), xyz_p.reshape(-1))


def _nms_body(x1_ref, z1_ref, x2_ref, z2_ref, sc_ref, prop_ref,
              out_ref, *, n_valid, nb):
    x1 = x1_ref[...]
    z1 = z1_ref[...]
    x2 = x2_ref[...]
    z2 = z2_ref[...]
    sc = sc_ref[...]
    V = x1.shape[0]
    iv = jax.lax.broadcasted_iota(jnp.int32, x1.shape, 0)
    isub = jax.lax.broadcasted_iota(jnp.int32, x1.shape, 1)
    il = jax.lax.broadcasted_iota(jnp.int32, x1.shape, 2)
    sh = 8 // nb
    pos = iv * (sh * 128) + (isub // nb) * 128 + il
    areas = (x2 - x1) * (z2 - z1)
    lane8 = jax.lax.broadcasted_iota(jnp.int32, (1, 8), 1)

    def shared_tree(vals, op):
        vals = list(vals)
        while len(vals) > 1:
            nxt = [op(vals[i], vals[i + 1]) for i in range(0, len(vals) - 1, 2)]
            if len(vals) % 2:
                nxt.append(vals[-1])
            vals = nxt
        r = vals[0]
        r = op(r, pltpu.roll(r, nb, 0))
        if op is jnp.maximum:
            return jnp.max(r, axis=1, keepdims=True)
        return jnp.min(r, axis=1, keepdims=True)

    def write_rows(k, icol, mcol):
        for b in range(nb):
            m_b = mcol[b, 0]
            valid_b = m_b > _NEG
            idx_b = jnp.where(valid_b, icol[b, 0], 0)
            vf = valid_b.astype(jnp.float32)
            prow = prop_ref[b, pl.ds(idx_b, 1), :]
            row = (prow + jnp.where(lane8 == 7, m_b, 0.0)) * vf
            out_ref[b, pl.ds(k, 1), :] = row

    def body(k, carry):
        alive, picol, pmcol = carry
        kk = jnp.maximum(k - 1, 0)
        write_rows(kk, picol, pmcol)

        masked = jnp.where(alive > 0.0, sc, _NEG)
        mcol = shared_tree([masked[i] for i in range(V)], jnp.maximum)
        cand = jnp.where(masked == mcol[None], pos, 1 << 30)
        icol = shared_tree([cand[i] for i in range(V)], jnp.minimum)
        validc = mcol > _NEG

        sel = pos == icol[None]
        x1c = shared_tree([jnp.where(sel[i], x1[i], _NEG) for i in range(V)],
                          jnp.maximum)
        z1c = shared_tree([jnp.where(sel[i], z1[i], _NEG) for i in range(V)],
                          jnp.maximum)
        x2c = shared_tree([jnp.where(sel[i], x2[i], _NEG) for i in range(V)],
                          jnp.maximum)
        z2c = shared_tree([jnp.where(sel[i], z2[i], _NEG) for i in range(V)],
                          jnp.maximum)
        areac = (x2c - x1c) * (z2c - z1c)

        xx1 = jnp.maximum(x1c[None], x1)
        zz1 = jnp.maximum(z1c[None], z1)
        xx2 = jnp.minimum(x2c[None], x2)
        zz2 = jnp.minimum(z2c[None], z2)
        inter = jnp.maximum(xx2 - xx1, 0.0) * jnp.maximum(zz2 - zz1, 0.0)
        iou = inter / jnp.maximum(areac[None] + areas - inter, 1e-8)
        sup = (iou > _NMS_THRES) | sel
        alive = jnp.where(validc[None] & sup, 0.0, alive)
        return alive, icol, mcol

    alive0 = (pos < n_valid).astype(jnp.float32)
    icol0 = jnp.zeros((8, 1), jnp.int32)
    mcol0 = jnp.full((8, 1), _NEG, jnp.float32)
    _, icol_f, mcol_f = jax.lax.fori_loop(
        0, _NMS_POST, body, (alive0, icol0, mcol0))
    write_rows(_NMS_POST - 1, icol_f, mcol_f)


def kernel(rpn_scores, rpn_reg, xyz):
    B, N = rpn_scores.shape
    C = rpn_reg.shape[-1]
    sh = 8 // B
    NP = ((N + sh * 128 - 1) // (sh * 128)) * (sh * 128)
    V = NP // (sh * 128)

    reg_p = jnp.pad(rpn_reg,
                    ((0, 0), (0, NP - N), (0, _PITCH - C))).reshape(-1, _PITCH)
    xyz_p = jnp.pad(xyz,
                    ((0, 0), (0, NP - N), (0, _XPITCH - 3))).reshape(-1, _XPITCH)
    dec = _sc_decode(reg_p, xyz_p)
    dec = dec.reshape(_NTILES, 16, -1)
    flat = dec.transpose(0, 2, 1).reshape(B, NP, 16)
    prop_p = flat[..., 0:8]

    def interleave(a):
        return (a.reshape(B, V, sh, 128)
                 .transpose(1, 2, 0, 3)
                 .reshape(V, 8, 128))

    x1 = interleave(flat[..., 8])
    z1 = interleave(flat[..., 9])
    x2 = interleave(flat[..., 10])
    z2 = interleave(flat[..., 11])
    scp = interleave(jnp.pad(rpn_scores, ((0, 0), (0, NP - N))))

    out = pl.pallas_call(
        functools.partial(_nms_body, n_valid=N, nb=B),
        out_shape=jax.ShapeDtypeStruct((B, _NMS_POST, 8), jnp.float32),
    )(x1, z1, x2, z2, scp, prop_p)

    return out[..., :7], out[..., 7]

# --- scband reference (transcript-rebuilt; emitter-appended) ---
"""Pipeline reference for scband-proposal-layer-27711128994381 (READ-ONLY COPY).

The authoritative reference and input builder live on the scoring server;
editing this copy changes nothing except your own understanding.
"""

import jax, jax.numpy as jnp
import numpy as np

NMS_POST = 512
NMS_THRES = 0.85
LOC_SCOPE = 3.0
LOC_BIN_SIZE = 0.5
NUM_HEAD_BIN = 12
MEAN_SIZE = np.array([1.53, 1.63, 3.88], dtype=np.float32)


def setup_inputs(seed: int = 0) -> dict:
    key = jax.random.key(seed)
    k1, k2, k3 = jax.random.split(key, 3)
    B, N = 4, 5000
    rpn_scores = jax.random.normal(k1, (B, N), dtype=jnp.float32)
    rpn_reg = jax.random.normal(k2, (B, N, 76), dtype=jnp.float32)
    xyz = jax.random.normal(k3, (B, N, 3), dtype=jnp.float32) * 20.0
    return {"rpn_scores": rpn_scores, "rpn_reg": rpn_reg, "xyz": xyz}


def decode_bbox_target(roi_box3d, pred_reg, loc_scope, loc_bin_size, num_head_bin, anchor_size):
    # faithful port of decode_bbox_target with get_xz_fine=True, get_y_by_bin=False, get_ry_fine=False
    p = int(loc_scope / loc_bin_size) * 2
    x_bin = jnp.argmax(pred_reg[:, 0:p], axis=1)
    z_bin = jnp.argmax(pred_reg[:, p:2 * p], axis=1)
    pos_x = x_bin.astype(jnp.float32) * loc_bin_size + loc_bin_size / 2.0 - loc_scope
    pos_z = z_bin.astype(jnp.float32) * loc_bin_size + loc_bin_size / 2.0 - loc_scope
    x_res_norm = jnp.take_along_axis(pred_reg[:, 2 * p:3 * p], x_bin[:, None], axis=1)[:, 0]
    z_res_norm = jnp.take_along_axis(pred_reg[:, 3 * p:4 * p], z_bin[:, None], axis=1)[:, 0]
    pos_x = pos_x + x_res_norm * loc_bin_size
    pos_z = pos_z + z_res_norm * loc_bin_size
    start = 4 * p
    pos_y = roi_box3d[:, 1] + pred_reg[:, start]
    start = start + 1
    ry_bin = jnp.argmax(pred_reg[:, start:start + num_head_bin], axis=1)
    ry_res_norm = jnp.take_along_axis(pred_reg[:, start + num_head_bin:start + 2 * num_head_bin], ry_bin[:, None], axis=1)[:, 0]
    angle_per_class = 2.0 * np.pi / num_head_bin
    ry_res = ry_res_norm * (angle_per_class / 2.0)
    ry = (ry_bin.astype(jnp.float32) * angle_per_class + ry_res) % (2.0 * np.pi)
    ry = jnp.where(ry > np.pi, ry - 2.0 * np.pi, ry)
    s0 = start + 2 * num_head_bin
    size_res_norm = pred_reg[:, s0:s0 + 3]
    hwl = size_res_norm * anchor_size + anchor_size
    ret = jnp.concatenate([pos_x[:, None], pos_y[:, None], pos_z[:, None], hwl, ry[:, None]], axis=1)
    # roi_box3d has 3 columns (xyz), so the roi_ry rotation branch is skipped
    roi_center = roi_box3d[:, 0:3]
    ret = ret.at[:, 0].add(roi_center[:, 0])
    ret = ret.at[:, 2].add(roi_center[:, 2])
    return ret


def xywhr_to_xyxyr(b):
    half_w = b[:, 2] / 2.0
    half_h = b[:, 3] / 2.0
    return jnp.stack([b[:, 0] - half_w, b[:, 1] - half_h, b[:, 0] + half_w, b[:, 1] + half_h, b[:, 4]], axis=1)


def nms_bev(bev, scores, thres, max_out):
    # greedy NMS on BEV boxes (axis-aligned IoU; rotation channel ignored), fixed-size padded output
    N = bev.shape[0]
    order = jnp.argsort(-scores)
    boxes = bev[order]
    x1, y1, x2, y2 = boxes[:, 0], boxes[:, 1], boxes[:, 2], boxes[:, 3]
    areas = (x2 - x1) * (y2 - y1)
    idxs = jnp.arange(N)

    def body(i, supp):
        xx1 = jnp.maximum(x1[i], x1)
        yy1 = jnp.maximum(y1[i], y1)
        xx2 = jnp.minimum(x2[i], x2)
        yy2 = jnp.minimum(y2[i], y2)
        inter = jnp.maximum(xx2 - xx1, 0.0) * jnp.maximum(yy2 - yy1, 0.0)
        iou = inter / jnp.maximum(areas[i] + areas - inter, 1e-8)
        new_supp = supp | ((iou > thres) & (idxs > i))
        return jnp.where(supp[i], supp, new_supp)

    supp = jax.lax.fori_loop(0, N, body, jnp.zeros((N,), dtype=bool))
    keep_rank = jnp.where(~supp, idxs, N)
    keep_sorted = jnp.sort(keep_rank)[:max_out]
    valid = keep_sorted < N
    keep_idx = order[jnp.where(valid, keep_sorted, 0)]
    return keep_idx, valid


def reference(rpn_scores, rpn_reg, xyz):
    B, N = xyz.shape[0], xyz.shape[1]
    anchor_size = jnp.asarray(MEAN_SIZE)
    proposals = decode_bbox_target(xyz.reshape(-1, xyz.shape[-1]), rpn_reg.reshape(-1, rpn_reg.shape[-1]),
                                   LOC_SCOPE, LOC_BIN_SIZE, NUM_HEAD_BIN, anchor_size)
    proposals = proposals.reshape(B, N, 7)
    cols = jnp.array([0, 2, 3, 5, 6])
    ret_bbox3d = []
    ret_scores = []
    for k in range(B):
        bev = xywhr_to_xyxyr(proposals[k][:, cols])
        keep_idx, valid = nms_bev(jax.lax.stop_gradient(bev), jax.lax.stop_gradient(rpn_scores[k]), NMS_THRES, NMS_POST)
        vb = valid.astype(jnp.float32)
        ret_bbox3d.append(proposals[k][keep_idx] * vb[:, None])
        ret_scores.append(rpn_scores[k][keep_idx] * vb)
    return jnp.stack(ret_bbox3d, axis=0), jnp.stack(ret_scores, axis=0)

if __name__ == "__main__":
    import jax
    _d = setup_inputs()
    print(jax.jit(kernel)(*tuple(_d.values())))

</pallas_src>

<mosaic_0001>
#map = affine_map<(d0, d1) -> (0)>
#map1 = affine_map<(d0, d1) -> (0, 0)>
module attributes {stable_mosaic.version = 14 : i64} {
  func.func @_sc_decode_body(%arg0: i32, %arg1: i32, %arg2: memref<1658880xf32, #tpu.memory_space<hbm>>, %arg3: memref<102400xf32, #tpu.memory_space<hbm>>, %arg4: memref<32x10240xf32, #tpu.memory_space<hbm>>, %arg5: memref<51840xf32, #tpu.memory_space<vmem>>, %arg6: memref<3200xf32, #tpu.memory_space<vmem>>, %arg7: memref<10240xf32, #tpu.memory_space<vmem>>) attributes {dimension_semantics = [#tpu.dimension_semantics<core_parallel>, #tpu.dimension_semantics<subcore_parallel>], iteration_bounds = array<i64: 2, 16>, scalar_prefetch = 0 : i64, scratch_operands = 3 : i64, tpu.core_type = #tpu.core_type<sc_vector_subcore>, window_params = [{transform_indices = #map}, {transform_indices = #map}, {transform_indices = #map1}]} {
    %mul3A = arith.constant 2 : i32
    %mul3A_0 = arith.muli %arg1, %mul3A : i32
    %add3A = arith.addi %mul3A_0, %arg0 : i32
    %mul3A_1 = arith.constant 640 : i32
    %mul3A_2 = arith.muli %add3A, %mul3A_1 : i32
    %mul3A_3 = arith.constant 81 : i32
    %mul3A_4 = arith.muli %mul3A_2, %mul3A_3 : i32
    "tpu.region"() ({
      %run_scoped3A = tpu.sem_alloc : memref<!tpu.dma_semaphore, #tpu.memory_space<semaphore_mem>>
      %dma_start3A = tpu.memref_slice %arg2[%mul3A_4] : memref<1658880xf32, #tpu.memory_space<hbm>> -> memref<51840xf32, #tpu.memory_space<hbm>>
      %dma_start3A_13 = tpu.memref_slice %arg2[%mul3A_4] : memref<1658880xf32, #tpu.memory_space<hbm>> -> memref<51840xf32, #tpu.memory_space<hbm>>
      tpu.enqueue_dma source(%dma_start3A_13 : memref<51840xf32, #tpu.memory_space<hbm>>) target(%arg5 : memref<51840xf32, #tpu.memory_space<vmem>>) target_semaphore(%run_scoped3A : memref<!tpu.dma_semaphore, #tpu.memory_space<semaphore_mem>>)
      %dma_wait3A = tpu.memref_slice %arg2[%mul3A_4] : memref<1658880xf32, #tpu.memory_space<hbm>> -> memref<51840xf32, #tpu.memory_space<hbm>>
      %dma_wait3A_14 = tpu.memref_slice %arg2[%mul3A_4] : memref<1658880xf32, #tpu.memory_space<hbm>> -> memref<51840xf32, #tpu.memory_space<hbm>>
      tpu.wait_dma2 semaphore(%run_scoped3A : memref<!tpu.dma_semaphore, #tpu.memory_space<semaphore_mem>>) src(%dma_wait3A_14 : memref<51840xf32, #tpu.memory_space<hbm>>) dst(%arg5 : memref<51840xf32, #tpu.memory_space<vmem>>)
      tpu.yield
    }) : () -> ()
    %mul3A_5 = arith.constant 5 : i32
    %mul3A_6 = arith.muli %mul3A_2, %mul3A_5 : i32
    "tpu.region"() ({
      %run_scoped3A = tpu.sem_alloc : memref<!tpu.dma_semaphore, #tpu.memory_space<semaphore_mem>>
      %dma_start3A = tpu.memref_slice %arg3[%mul3A_6] : memref<102400xf32, #tpu.memory_space<hbm>> -> memref<3200xf32, #tpu.memory_space<hbm>>
      %dma_start3A_13 = tpu.memref_slice %arg3[%mul3A_6] : memref<102400xf32, #tpu.memory_space<hbm>> -> memref<3200xf32, #tpu.memory_space<hbm>>
      tpu.enqueue_dma source(%dma_start3A_13 : memref<3200xf32, #tpu.memory_space<hbm>>) target(%arg6 : memref<3200xf32, #tpu.memory_space<vmem>>) target_semaphore(%run_scoped3A : memref<!tpu.dma_semaphore, #tpu.memory_space<semaphore_mem>>)
      %dma_wait3A = tpu.memref_slice %arg3[%mul3A_6] : memref<102400xf32, #tpu.memory_space<hbm>> -> memref<3200xf32, #tpu.memory_space<hbm>>
      %dma_wait3A_14 = tpu.memref_slice %arg3[%mul3A_6] : memref<102400xf32, #tpu.memory_space<hbm>> -> memref<3200xf32, #tpu.memory_space<hbm>>
      tpu.wait_dma2 semaphore(%run_scoped3A : memref<!tpu.dma_semaphore, #tpu.memory_space<semaphore_mem>>) src(%dma_wait3A_14 : memref<3200xf32, #tpu.memory_space<hbm>>) dst(%arg6 : memref<3200xf32, #tpu.memory_space<vmem>>)
      tpu.yield
    }) : () -> ()
    %iota3A = tpu.iota {dimensions = array<i32: 0>} : vector<16xi32>
    %broadcast_in_dim3A = arith.constant 0.000000e+00 : f32
    %broadcast_in_dim3A_7 = vector.broadcast %broadcast_in_dim3A : f32 to vector<16xf32>
    %scan3A = arith.constant 0 : i32
    %scan3A_8 = arith.constant 0 : i32
    %scan3A_9 = arith.constant 40 : i32
    %scan3A_10 = arith.addi %scan3A_8, %scan3A_9 : i32
    %scan3A_11 = arith.constant 1 : i32
    scf.for %scan3A_13 = %scan3A_8 to %scan3A_10 step %scan3A_11  : i32 {
      %mul3A_14 = arith.constant 16 : i32
      %mul3A_15 = arith.muli %scan3A_13, %mul3A_14 : i32
      %add3A_16 = vector.broadcast %mul3A_15 : i32 to vector<16xi32>
      %add3A_17 = arith.addi %add3A_16, %iota3A : vector<16xi32>
      %mul3A_18 = arith.constant 81 : i32
      %mul3A_19 = vector.broadcast %mul3A_18 : i32 to vector<16xi32>
      %mul3A_20 = arith.muli %add3A_17, %mul3A_19 : vector<16xi32>
      %mul3A_21 = arith.constant 5 : i32
      %mul3A_22 = vector.broadcast %mul3A_21 : i32 to vector<16xi32>
      %mul3A_23 = arith.muli %add3A_17, %mul3A_22 : vector<16xi32>
      %add3A_24 = arith.constant 0 : i32
      %add3A_25 = vector.broadcast %add3A_24 : i32 to vector<16xi32>
      %add3A_26 = arith.addi %mul3A_20, %add3A_25 : vector<16xi32>
      %gather3A = tpu.vector_load_idx %arg5[%add3A_26] : memref<51840xf32, #tpu.memory_space<vmem>>[vector<16xi32>], vector<16xf32>,
      %broadcast_in_dim3A_27 = arith.constant 0 : i32
      %broadcast_in_dim3A_28 = vector.broadcast %broadcast_in_dim3A_27 : i32 to vector<16xi32>
      %add3A_29 = arith.constant 1 : i32
      %add3A_30 = vector.broadcast %add3A_29 : i32 to vector<16xi32>
      %add3A_31 = arith.addi %mul3A_20, %add3A_30 : vector<16xi32>
      %gather3A_32 = tpu.vector_load_idx %arg5[%add3A_31] : memref<51840xf32, #tpu.memory_space<vmem>>[vector<16xi32>], vector<16xf32>,
      %gt3A = arith.cmpf ogt, %gather3A_32, %gather3A : vector<16xf32>
      %select_n3A = arith.select %gt3A, %gather3A_32, %gather3A : vector<16xi1>, vector<16xf32>
      %broadcast_in_dim3A_33 = arith.constant 1 : i32
      %broadcast_in_dim3A_34 = vector.broadcast %broadcast_in_dim3A_33 : i32 to vector<16xi32>
      %select_n3A_35 = arith.select %gt3A, %broadcast_in_dim3A_34, %broadcast_in_dim3A_28 : vector<16xi1>, vector<16xi32>
      %add3A_36 = arith.constant 2 : i32
      %add3A_37 = vector.broadcast %add3A_36 : i32 to vector<16xi32>
      %add3A_38 = arith.addi %mul3A_20, %add3A_37 : vector<16xi32>
      %gather3A_39 = tpu.vector_load_idx %arg5[%add3A_38] : memref<51840xf32, #tpu.memory_space<vmem>>[vector<16xi32>], vector<16xf32>,
      %gt3A_40 = arith.cmpf ogt, %gather3A_39, %select_n3A : vector<16xf32>
      %select_n3A_41 = arith.select %gt3A_40, %gather3A_39, %select_n3A : vector<16xi1>, vector<16xf32>
      %broadcast_in_dim3A_42 = arith.constant 2 : i32
      %broadcast_in_dim3A_43 = vector.broadcast %broadcast_in_dim3A_42 : i32 to vector<16xi32>
      %select_n3A_44 = arith.select %gt3A_40, %broadcast_in_dim3A_43, %select_n3A_35 : vector<16xi1>, vector<16xi32>
      %add3A_45 = arith.constant 3 : i32
      %add3A_46 = vector.broadcast %add3A_45 : i32 to vector<16xi32>
      %add3A_47 = arith.addi %mul3A_20, %add3A_46 : vector<16xi32>
      %gather3A_48 = tpu.vector_load_idx %arg5[%add3A_47] : memref<51840xf32, #tpu.memory_space<vmem>>[vector<16xi32>], vector<16xf32>,
      %gt3A_49 = arith.cmpf ogt, %gather3A_48, %select_n3A_41 : vector<16xf32>
      %select_n3A_50 = arith.select %gt3A_49, %gather3A_48, %select_n3A_41 : vector<16xi1>, vector<16xf32>
      %broadcast_in_dim3A_51 = arith.constant 3 : i32
      %broadcast_in_dim3A_52 = vector.broadcast %broadcast_in_dim3A_51 : i32 to vector<16xi32>
      %select_n3A_53 = arith.select %gt3A_49, %broadcast_in_dim3A_52, %select_n3A_44 : vector<16xi1>, vector<16xi32>
      %add3A_54 = arith.constant 4 : i32
      %add3A_55 = vector.broadcast %add3A_54 : i32 to vector<16xi32>
      %add3A_56 = arith.addi %mul3A_20, %add3A_55 : vector<16xi32>
      %gather3A_57 = tpu.vector_load_idx %arg5[%add3A_56] : memref<51840xf32, #tpu.memory_space<vmem>>[vector<16xi32>], vector<16xf32>,
      %gt3A_58 = arith.cmpf ogt, %gather3A_57, %select_n3A_50 : vector<16xf32>
      %select_n3A_59 = arith.select %gt3A_58, %gather3A_57, %select_n3A_50 : vector<16xi1>, vector<16xf32>
      %broadcast_in_dim3A_60 = arith.constant 4 : i32
      %broadcast_in_dim3A_61 = vector.broadcast %broadcast_in_dim3A_60 : i32 to vector<16xi32>
      %select_n3A_62 = arith.select %gt3A_58, %broadcast_in_dim3A_61, %select_n3A_53 : vector<16xi1>, vector<16xi32>
      %add3A_63 = arith.constant 5 : i32
      %add3A_64 = vector.broadcast %add3A_63 : i32 to vector<16xi32>
      %add3A_65 = arith.addi %mul3A_20, %add3A_64 : vector<16xi32>
      %gather3A_66 = tpu.vector_load_idx %arg5[%add3A_65] : memref<51840xf32, #tpu.memory_space<vmem>>[vector<16xi32>], vector<16xf32>,
      %gt3A_67 = arith.cmpf ogt, %gather3A_66, %select_n3A_59 : vector<16xf32>
      %select_n3A_68 = arith.select %gt3A_67, %gather3A_66, %select_n3A_59 : vector<16xi1>, vector<16xf32>
      %broadcast_in_dim3A_69 = arith.constant 5 : i32
      %broadcast_in_dim3A_70 = vector.broadcast %broadcast_in_dim3A_69 : i32 to vector<16xi32>
      %select_n3A_71 = arith.select %gt3A_67, %broadcast_in_dim3A_70, %select_n3A_62 : vector<16xi1>, vector<16xi32>
      %add3A_72 = arith.constant 6 : i32
      %add3A_73 = vector.broadcast %add3A_72 : i32 to vector<16xi32>
      %add3A_74 = arith.addi %mul3A_20, %add3A_73 : vector<16xi32>
      %gather3A_75 = tpu.vector_load_idx %arg5[%add3A_74] : memref<51840xf32, #tpu.memory_space<vmem>>[vector<16xi32>], vector<16xf32>,
      %gt3A_76 = arith.cmpf ogt, %gather3A_75, %select_n3A_68 : vector<16xf32>
      %select_n3A_77 = arith.select %gt3A_76, %gather3A_75, %select_n3A_68 : vector<16xi1>, vector<16xf32>
      %broadcast_in_dim3A_78 = arith.constant 6 : i32
      %broadcast_in_dim3A_79 = vector.broadcast %broadcast_in_dim3A_78 : i32 to vector<16xi32>
      %select_n3A_80 = arith.select %gt3A_76, %broadcast_in_dim3A_79, %select_n3A_71 : vector<16xi1>, vector<16xi32>
      %add3A_81 = arith.constant 7 : i32
      %add3A_82 = vector.broadcast %add3A_81 : i32 to vector<16xi32>
      %add3A_83 = arith.addi %mul3A_20, %add3A_82 : vector<16xi32>
      %gather3A_84 = tpu.vector_load_idx %arg5[%add3A_83] : memref<51840xf32, #tpu.memory_space<vmem>>[vector<16xi32>], vector<16xf32>,
      %gt3A_85 = arith.cmpf ogt, %gather3A_84, %select_n3A_77 : vector<16xf32>
      %select_n3A_86 = arith.select %gt3A_85, %gather3A_84, %select_n3A_77 : vector<16xi1>, vector<16xf32>
      %broadcast_in_dim3A_87 = arith.constant 7 : i32
      %broadcast_in_dim3A_88 = vector.broadcast %broadcast_in_dim3A_87 : i32 to vector<16xi32>
      %select_n3A_89 = arith.select %gt3A_85, %broadcast_in_dim3A_88, %select_n3A_80 : vector<16xi1>, vector<16xi32>
      %add3A_90 = arith.constant 8 : i32
      %add3A_91 = vector.broadcast %add3A_90 : i32 to vector<16xi32>
      %add3A_92 = arith.addi %mul3A_20, %add3A_91 : vector<16xi32>
      %gather3A_93 = tpu.vector_load_idx %arg5[%add3A_92] : memref<51840xf32, #tpu.memory_space<vmem>>[vector<16xi32>], vector<16xf32>,
      %gt3A_94 = arith.cmpf ogt, %gather3A_93, %select_n3A_86 : vector<16xf32>
      %select_n3A_95 = arith.select %gt3A_94, %gather3A_93, %select_n3A_86 : vector<16xi1>, vector<16xf32>
      %broadcast_in_dim3A_96 = arith.constant 8 : i32
      %broadcast_in_dim3A_97 = vector.broadcast %broadcast_in_dim3A_96 : i32 to vector<16xi32>
      %select_n3A_98 = arith.select %gt3A_94, %broadcast_in_dim3A_97, %select_n3A_89 : vector<16xi1>, vector<16xi32>
      %add3A_99 = arith.constant 9 : i32
      %add3A_100 = vector.broadcast %add3A_99 : i32 to vector<16xi32>
      %add3A_101 = arith.addi %mul3A_20, %add3A_100 : vector<16xi32>
      %gather3A_102 = tpu.vector_load_idx %arg5[%add3A_101] : memref<51840xf32, #tpu.memory_space<vmem>>[vector<16xi32>], vector<16xf32>,
      %gt3A_103 = arith.cmpf ogt, %gather3A_102, %select_n3A_95 : vector<16xf32>
      %select_n3A_104 = arith.select %gt3A_103, %gather3A_102, %select_n3A_95 : vector<16xi1>, vector<16xf32>
      %broadcast_in_dim3A_105 = arith.constant 9 : i32
      %broadcast_in_dim3A_106 = vector.broadcast %broadcast_in_dim3A_105 : i32 to vector<16xi32>
      %select_n3A_107 = arith.select %gt3A_103, %broadcast_in_dim3A_106, %select_n3A_98 : vector<16xi1>, vector<16xi32>
      %add3A_108 = arith.constant 10 : i32
      %add3A_109 = vector.broadcast %add3A_108 : i32 to vector<16xi32>
      %add3A_110 = arith.addi %mul3A_20, %add3A_109 : vector<16xi32>
      %gather3A_111 = tpu.vector_load_idx %arg5[%add3A_110] : memref<51840xf32, #tpu.memory_space<vmem>>[vector<16xi32>], vector<16xf32>,
      %gt3A_112 = arith.cmpf ogt, %gather3A_111, %select_n3A_104 : vector<16xf32>
      %select_n3A_113 = arith.select %gt3A_112, %gather3A_111, %select_n3A_104 : vector<16xi1>, vector<16xf32>
      %broadcast_in_dim3A_114 = arith.constant 10 : i32
      %broadcast_in_dim3A_115 = vector.broadcast %broadcast_in_dim3A_114 : i32 to vector<16xi32>
      %select_n3A_116 = arith.select %gt3A_112, %broadcast_in_dim3A_115, %select_n3A_107 : vector<16xi1>, vector<16xi32>
      %add3A_117 = arith.constant 11 : i32
      %add3A_118 = vector.broadcast %add3A_117 : i32 to vector<16xi32>
      %add3A_119 = arith.addi %mul3A_20, %add3A_118 : vector<16xi32>
      %gather3A_120 = tpu.vector_load_idx %arg5[%add3A_119] : memref<51840xf32, #tpu.memory_space<vmem>>[vector<16xi32>], vector<16xf32>,
      %gt3A_121 = arith.cmpf ogt, %gather3A_120, %select_n3A_113 : vector<16xf32>
      %select_n3A_122 = arith.select %gt3A_121, %gather3A_120, %select_n3A_113 : vector<16xi1>, vector<16xf32>
      %broadcast_in_dim3A_123 = arith.constant 11 : i32
      %broadcast_in_dim3A_124 = vector.broadcast %broadcast_in_dim3A_123 : i32 to vector<16xi32>
      %select_n3A_125 = arith.select %gt3A_121, %broadcast_in_dim3A_124, %select_n3A_116 : vector<16xi1>, vector<16xi32>
      %add3A_126 = arith.constant 12 : i32
      %add3A_127 = vector.broadcast %add3A_126 : i32 to vector<16xi32>
      %add3A_128 = arith.addi %mul3A_20, %add3A_127 : vector<16xi32>
      %gather3A_129 = tpu.vector_load_idx %arg5[%add3A_128] : memref<51840xf32, #tpu.memory_space<vmem>>[vector<16xi32>], vector<16xf32>,
      %broadcast_in_dim3A_130 = arith.constant 0 : i32
      %broadcast_in_dim3A_131 = vector.broadcast %broadcast_in_dim3A_130 : i32 to vector<16xi32>
      %add3A_132 = arith.constant 13 : i32
      %add3A_133 = vector.broadcast %add3A_132 : i32 to vector<16xi32>
      %add3A_134 = arith.addi %mul3A_20, %add3A_133 : vector<16xi32>
      %gather3A_135 = tpu.vector_load_idx %arg5[%add3A_134] : memref<51840xf32, #tpu.memory_space<vmem>>[vector<16xi32>], vector<16xf32>,
      %gt3A_136 = arith.cmpf ogt, %gather3A_135, %gather3A_129 : vector<16xf32>
      %select_n3A_137 = arith.select %gt3A_136, %gather3A_135, %gather3A_129 : vector<16xi1>, vector<16xf32>
      %broadcast_in_dim3A_138 = arith.constant 1 : i32
      %broadcast_in_dim3A_139 = vector.broadcast %broadcast_in_dim3A_138 : i32 to vector<16xi32>
      %select_n3A_140 = arith.select %gt3A_136, %broadcast_in_dim3A_139, %broadcast_in_dim3A_131 : vector<16xi1>, vector<16xi32>
      %add3A_141 = arith.constant 14 : i32
      %add3A_142 = vector.broadcast %add3A_141 : i32 to vector<16xi32>
      %add3A_143 = arith.addi %mul3A_20, %add3A_142 : vector<16xi32>
      %gather3A_144 = tpu.vector_load_idx %arg5[%add3A_143] : memref<51840xf32, #tpu.memory_space<vmem>>[vector<16xi32>], vector<16xf32>,
      %gt3A_145 = arith.cmpf ogt, %gather3A_144, %select_n3A_137 : vector<16xf32>
      %select_n3A_146 = arith.select %gt3A_145, %gather3A_144, %select_n3A_137 : vector<16xi1>, vector<16xf32>
      %broadcast_in_dim3A_147 = arith.constant 2 : i32
      %broadcast_in_dim3A_148 = vector.broadcast %broadcast_in_dim3A_147 : i32 to vector<16xi32>
      %select_n3A_149 = arith.select %gt3A_145, %broadcast_in_dim3A_148, %select_n3A_140 : vector<16xi1>, vector<16xi32>
      %add3A_150 = arith.constant 15 : i32
      %add3A_151 = vector.broadcast %add3A_150 : i32 to vector<16xi32>
      %add3A_152 = arith.addi %mul3A_20, %add3A_151 : vector<16xi32>
      %gather3A_153 = tpu.vector_load_idx %arg5[%add3A_152] : memref<51840xf32, #tpu.memory_space<vmem>>[vector<16xi32>], vector<16xf32>,
      %gt3A_154 = arith.cmpf ogt, %gather3A_153, %select_n3A_146 : vector<16xf32>
      %select_n3A_155 = arith.select %gt3A_154, %gather3A_153, %select_n3A_146 : vector<16xi1>, vector<16xf32>
      %broadcast_in_dim3A_156 = arith.constant 3 : i32
      %broadcast_in_dim3A_157 = vector.broadcast %broadcast_in_dim3A_156 : i32 to vector<16xi32>
      %select_n3A_158 = arith.select %gt3A_154, %broadcast_in_dim3A_157, %select_n3A_149 : vector<16xi1>, vector<16xi32>
      %add3A_159 = arith.constant 16 : i32
      %add3A_160 = vector.broadcast %add3A_159 : i32 to vector<16xi32>
      %add3A_161 = arith.addi %mul3A_20, %add3A_160 : vector<16xi32>
      %gather3A_162 = tpu.vector_load_idx %arg5[%add3A_161] : memref<51840xf32, #tpu.memory_space<vmem>>[vector<16xi32>], vector<16xf32>,
      %gt3A_163 = arith.cmpf ogt, %gather3A_162, %select_n3A_155 : vector<16xf32>
      %select_n3A_164 = arith.select %gt3A_163, %gather3A_162, %select_n3A_155 : vector<16xi1>, vector<16xf32>
      %broadcast_in_dim3A_165 = arith.constant 4 : i32
      %broadcast_in_dim3A_166 = vector.broadcast %broadcast_in_dim3A_165 : i32 to vector<16xi32>
      %select_n3A_167 = arith.select %gt3A_163, %broadcast_in_dim3A_166, %select_n3A_158 : vector<16xi1>, vector<16xi32>
      %add3A_168 = arith.constant 17 : i32
      %add3A_169 = vector.broadcast %add3A_168 : i32 to vector<16xi32>
      %add3A_170 = arith.addi %mul3A_20, %add3A_169 : vector<16xi32>
      %gather3A_171 = tpu.vector_load_idx %arg5[%add3A_170] : memref<51840xf32, #tpu.memory_space<vmem>>[vector<16xi32>], vector<16xf32>,
      %gt3A_172 = arith.cmpf ogt, %gather3A_171, %select_n3A_164 : vector<16xf32>
      %select_n3A_173 = arith.select %gt3A_172, %gather3A_171, %select_n3A_164 : vector<16xi1>, vector<16xf32>
      %broadcast_in_dim3A_174 = arith.constant 5 : i32
      %broadcast_in_dim3A_175 = vector.broadcast %broadcast_in_dim3A_174 : i32 to vector<16xi32>
      %select_n3A_176 = arith.select %gt3A_172, %broadcast_in_dim3A_175, %select_n3A_167 : vector<16xi1>, vector<16xi32>
      %add3A_177 = arith.constant 18 : i32
      %add3A_178 = vector.broadcast %add3A_177 : i32 to vector<16xi32>
      %add3A_179 = arith.addi %mul3A_20, %add3A_178 : vector<16xi32>
      %gather3A_180 = tpu.vector_load_idx %arg5[%add3A_179] : memref<51840xf32, #tpu.memory_space<vmem>>[vector<16xi32>], vector<16xf32>,
      %gt3A_181 = arith.cmpf ogt, %gather3A_180, %select_n3A_173 : vector<16xf32>
      %select_n3A_182 = arith.select %gt3A_181, %gather3A_180, %select_n3A_173 : vector<16xi1>, vector<16xf32>
      %broadcast_in_dim3A_183 = arith.constant 6 : i32
      %broadcast_in_dim3A_184 = vector.broadcast %broadcast_in_dim3A_183 : i32 to vector<16xi32>
      %select_n3A_185 = arith.select %gt3A_181, %broadcast_in_dim3A_184, %select_n3A_176 : vector<16xi1>, vector<16xi32>
      %add3A_186 = arith.constant 19 : i32
      %add3A_187 = vector.broadcast %add3A_186 : i32 to vector<16xi32>
      %add3A_188 = arith.addi %mul3A_20, %add3A_187 : vector<16xi32>
      %gather3A_189 = tpu.vector_load_idx %arg5[%add3A_188] : memref<51840xf32, #tpu.memory_space<vmem>>[vector<16xi32>], vector<16xf32>,
      %gt3A_190 = arith.cmpf ogt, %gather3A_189, %select_n3A_182 : vector<16xf32>
      %select_n3A_191 = arith.select %gt3A_190, %gather3A_189, %select_n3A_182 : vector<16xi1>, vector<16xf32>
      %broadcast_in_dim3A_192 = arith.constant 7 : i32
      %broadcast_in_dim3A_193 = vector.broadcast %broadcast_in_dim3A_192 : i32 to vector<16xi32>
      %select_n3A_194 = arith.select %gt3A_190, %broadcast_in_dim3A_193, %select_n3A_185 : vector<16xi1>, vector<16xi32>
      %add3A_195 = arith.constant 20 : i32
      %add3A_196 = vector.broadcast %add3A_195 : i32 to vector<16xi32>
      %add3A_197 = arith.addi %mul3A_20, %add3A_196 : vector<16xi32>
      %gather3A_198 = tpu.vector_load_idx %arg5[%add3A_197] : memref<51840xf32, #tpu.memory_space<vmem>>[vector<16xi32>], vector<16xf32>,
      %gt3A_199 = arith.cmpf ogt, %gather3A_198, %select_n3A_191 : vector<16xf32>
      %select_n3A_200 = arith.select %gt3A_199, %gather3A_198, %select_n3A_191 : vector<16xi1>, vector<16xf32>
      %broadcast_in_dim3A_201 = arith.constant 8 : i32
      %broadcast_in_dim3A_202 = vector.broadcast %broadcast_in_dim3A_201 : i32 to vector<16xi32>
      %select_n3A_203 = arith.select %gt3A_199, %broadcast_in_dim3A_202, %select_n3A_194 : vector<16xi1>, vector<16xi32>
      %add3A_204 = arith.constant 21 : i32
      %add3A_205 = vector.broadcast %add3A_204 : i32 to vector<16xi32>
      %add3A_206 = arith.addi %mul3A_20, %add3A_205 : vector<16xi32>
      %gather3A_207 = tpu.vector_load_idx %arg5[%add3A_206] : memref<51840xf32, #tpu.memory_space<vmem>>[vector<16xi32>], vector<16xf32>,
      %gt3A_208 = arith.cmpf ogt, %gather3A_207, %select_n3A_200 : vector<16xf32>
      %select_n3A_209 = arith.select %gt3A_208, %gather3A_207, %select_n3A_200 : vector<16xi1>, vector<16xf32>
      %broadcast_in_dim3A_210 = arith.constant 9 : i32
      %broadcast_in_dim3A_211 = vector.broadcast %broadcast_in_dim3A_210 : i32 to vector<16xi32>
      %select_n3A_212 = arith.select %gt3A_208, %broadcast_in_dim3A_211, %select_n3A_203 : vector<16xi1>, vector<16xi32>
      %add3A_213 = arith.constant 22 : i32
      %add3A_214 = vector.broadcast %add3A_213 : i32 to vector<16xi32>
      %add3A_215 = arith.addi %mul3A_20, %add3A_214 : vector<16xi32>
      %gather3A_216 = tpu.vector_load_idx %arg5[%add3A_215] : memref<51840xf32, #tpu.memory_space<vmem>>[vector<16xi32>], vector<16xf32>,
      %gt3A_217 = arith.cmpf ogt, %gather3A_216, %select_n3A_209 : vector<16xf32>
      %select_n3A_218 = arith.select %gt3A_217, %gather3A_216, %select_n3A_209 : vector<16xi1>, vector<16xf32>
      %broadcast_in_dim3A_219 = arith.constant 10 : i32
      %broadcast_in_dim3A_220 = vector.broadcast %broadcast_in_dim3A_219 : i32 to vector<16xi32>
      %select_n3A_221 = arith.select %gt3A_217, %broadcast_in_dim3A_220, %select_n3A_212 : vector<16xi1>, vector<16xi32>
      %add3A_222 = arith.constant 23 : i32
      %add3A_223 = vector.broadcast %add3A_222 : i32 to vector<16xi32>
      %add3A_224 = arith.addi %mul3A_20, %add3A_223 : vector<16xi32>
      %gather3A_225 = tpu.vector_load_idx %arg5[%add3A_224] : memref<51840xf32, #tpu.memory_space<vmem>>[vector<16xi32>], vector<16xf32>,
      %gt3A_226 = arith.cmpf ogt, %gather3A_225, %select_n3A_218 : vector<16xf32>
      %select_n3A_227 = arith.select %gt3A_226, %gather3A_225, %select_n3A_218 : vector<16xi1>, vector<16xf32>
      %broadcast_in_dim3A_228 = arith.constant 11 : i32
      %broadcast_in_dim3A_229 = vector.broadcast %broadcast_in_dim3A_228 : i32 to vector<16xi32>
      %select_n3A_230 = arith.select %gt3A_226, %broadcast_in_dim3A_229, %select_n3A_221 : vector<16xi1>, vector<16xi32>
      %add3A_231 = arith.constant 24 : i32
      %add3A_232 = vector.broadcast %add3A_231 : i32 to vector<16xi32>
      %add3A_233 = arith.addi %mul3A_20, %add3A_232 : vector<16xi32>
      %add3A_234 = arith.addi %add3A_233, %select_n3A_125 : vector<16xi32>
      %gather3A_235 = tpu.vector_load_idx %arg5[%add3A_234] : memref<51840xf32, #tpu.memory_space<vmem>>[vector<16xi32>], vector<16xf32>,
      %add3A_236 = arith.constant 36 : i32
      %add3A_237 = vector.broadcast %add3A_236 : i32 to vector<16xi32>
      %add3A_238 = arith.addi %mul3A_20, %add3A_237 : vector<16xi32>
      %add3A_239 = arith.addi %add3A_238, %select_n3A_230 : vector<16xi32>
      %gather3A_240 = tpu.vector_load_idx %arg5[%add3A_239] : memref<51840xf32, #tpu.memory_space<vmem>>[vector<16xi32>], vector<16xf32>,
      %convert_element_type3A = arith.sitofp %select_n3A_125 : vector<16xi32> to vector<16xf32>
      %convert_element_type3A_241 = arith.sitofp %select_n3A_230 : vector<16xi32> to vector<16xf32>
      %mul3A_242 = arith.constant 5.000000e-01 : f32
      %mul3A_243 = vector.broadcast %mul3A_242 : f32 to vector<16xf32>
      %mul3A_244 = arith.mulf %convert_element_type3A, %mul3A_243 : vector<16xf32>
      %add3A_245 = arith.constant 2.500000e-01 : f32
      %add3A_246 = vector.broadcast %add3A_245 : f32 to vector<16xf32>
      %add3A_247 = arith.addf %mul3A_244, %add3A_246 : vector<16xf32>
      %sub3A = arith.constant 3.000000e+00 : f32
      %sub3A_248 = vector.broadcast %sub3A : f32 to vector<16xf32>
      %sub3A_249 = arith.subf %add3A_247, %sub3A_248 : vector<16xf32>
      %mul3A_250 = arith.constant 5.000000e-01 : f32
      %mul3A_251 = vector.broadcast %mul3A_250 : f32 to vector<16xf32>
      %mul3A_252 = arith.mulf %convert_element_type3A_241, %mul3A_251 : vector<16xf32>
      %add3A_253 = arith.constant 2.500000e-01 : f32
      %add3A_254 = vector.broadcast %add3A_253 : f32 to vector<16xf32>
      %add3A_255 = arith.addf %mul3A_252, %add3A_254 : vector<16xf32>
      %sub3A_256 = arith.constant 3.000000e+00 : f32
      %sub3A_257 = vector.broadcast %sub3A_256 : f32 to vector<16xf32>
      %sub3A_258 = arith.subf %add3A_255, %sub3A_257 : vector<16xf32>
      %mul3A_259 = arith.constant 5.000000e-01 : f32
      %mul3A_260 = vector.broadcast %mul3A_259 : f32 to vector<16xf32>
      %mul3A_261 = arith.mulf %gather3A_235, %mul3A_260 : vector<16xf32>
      %add3A_262 = arith.addf %sub3A_249, %mul3A_261 : vector<16xf32>
      %mul3A_263 = arith.constant 5.000000e-01 : f32
      %mul3A_264 = vector.broadcast %mul3A_263 : f32 to vector<16xf32>
      %mul3A_265 = arith.mulf %gather3A_240, %mul3A_264 : vector<16xf32>
      %add3A_266 = arith.addf %sub3A_258, %mul3A_265 : vector<16xf32>
      %add3A_267 = arith.constant 0 : i32
      %add3A_268 = vector.broadcast %add3A_267 : i32 to vector<16xi32>
      %add3A_269 = arith.addi %mul3A_23, %add3A_268 : vector<16xi32>
      %gather3A_270 = tpu.vector_load_idx %arg6[%add3A_269] : memref<3200xf32, #tpu.memory_space<vmem>>[vector<16xi32>], vector<16xf32>,
      %add3A_271 = arith.constant 1 : i32
      %add3A_272 = vector.broadcast %add3A_271 : i32 to vector<16xi32>
      %add3A_273 = arith.addi %mul3A_23, %add3A_272 : vector<16xi32>
      %gather3A_274 = tpu.vector_load_idx %arg6[%add3A_273] : memref<3200xf32, #tpu.memory_space<vmem>>[vector<16xi32>], vector<16xf32>,
      %add3A_275 = arith.constant 2 : i32
      %add3A_276 = vector.broadcast %add3A_275 : i32 to vector<16xi32>
      %add3A_277 = arith.addi %mul3A_23, %add3A_276 : vector<16xi32>
      %gather3A_278 = tpu.vector_load_idx %arg6[%add3A_277] : memref<3200xf32, #tpu.memory_space<vmem>>[vector<16xi32>], vector<16xf32>,
      %add3A_279 = arith.constant 48 : i32
      %add3A_280 = vector.broadcast %add3A_279 : i32 to vector<16xi32>
      %add3A_281 = arith.addi %mul3A_20, %add3A_280 : vector<16xi32>
      %gather3A_282 = tpu.vector_load_idx %arg5[%add3A_281] : memref<51840xf32, #tpu.memory_space<vmem>>[vector<16xi32>], vector<16xf32>,
      %add3A_283 = arith.addf %gather3A_274, %gather3A_282 : vector<16xf32>
      %add3A_284 = arith.constant 49 : i32
      %add3A_285 = vector.broadcast %add3A_284 : i32 to vector<16xi32>
      %add3A_286 = arith.addi %mul3A_20, %add3A_285 : vector<16xi32>
      %gather3A_287 = tpu.vector_load_idx %arg5[%add3A_286] : memref<51840xf32, #tpu.memory_space<vmem>>[vector<16xi32>], vector<16xf32>,
      %broadcast_in_dim3A_288 = arith.constant 0 : i32
      %broadcast_in_dim3A_289 = vector.broadcast %broadcast_in_dim3A_288 : i32 to vector<16xi32>
      %add3A_290 = arith.constant 50 : i32
      %add3A_291 = vector.broadcast %add3A_290 : i32 to vector<16xi32>
      %add3A_292 = arith.addi %mul3A_20, %add3A_291 : vector<16xi32>
      %gather3A_293 = tpu.vector_load_idx %arg5[%add3A_292] : memref<51840xf32, #tpu.memory_space<vmem>>[vector<16xi32>], vector<16xf32>,
      %gt3A_294 = arith.cmpf ogt, %gather3A_293, %gather3A_287 : vector<16xf32>
      %select_n3A_295 = arith.select %gt3A_294, %gather3A_293, %gather3A_287 : vector<16xi1>, vector<16xf32>
      %broadcast_in_dim3A_296 = arith.constant 1 : i32
      %broadcast_in_dim3A_297 = vector.broadcast %broadcast_in_dim3A_296 : i32 to vector<16xi32>
      %select_n3A_298 = arith.select %gt3A_294, %broadcast_in_dim3A_297, %broadcast_in_dim3A_289 : vector<16xi1>, vector<16xi32>
      %add3A_299 = arith.constant 51 : i32
      %add3A_300 = vector.broadcast %add3A_299 : i32 to vector<16xi32>
      %add3A_301 = arith.addi %mul3A_20, %add3A_300 : vector<16xi32>
      %gather3A_302 = tpu.vector_load_idx %arg5[%add3A_301] : memref<51840xf32, #tpu.memory_space<vmem>>[vector<16xi32>], vector<16xf32>,
      %gt3A_303 = arith.cmpf ogt, %gather3A_302, %select_n3A_295 : vector<16xf32>
      %select_n3A_304 = arith.select %gt3A_303, %gather3A_302, %select_n3A_295 : vector<16xi1>, vector<16xf32>
      %broadcast_in_dim3A_305 = arith.constant 2 : i32
      %broadcast_in_dim3A_306 = vector.broadcast %broadcast_in_dim3A_305 : i32 to vector<16xi32>
      %select_n3A_307 = arith.select %gt3A_303, %broadcast_in_dim3A_306, %select_n3A_298 : vector<16xi1>, vector<16xi32>
      %add3A_308 = arith.constant 52 : i32
      %add3A_309 = vector.broadcast %add3A_308 : i32 to vector<16xi32>
      %add3A_310 = arith.addi %mul3A_20, %add3A_309 : vector<16xi32>
      %gather3A_311 = tpu.vector_load_idx %arg5[%add3A_310] : memref<51840xf32, #tpu.memory_space<vmem>>[vector<16xi32>], vector<16xf32>,
      %gt3A_312 = arith.cmpf ogt, %gather3A_311, %select_n3A_304 : vector<16xf32>
      %select_n3A_313 = arith.select %gt3A_312, %gather3A_311, %select_n3A_304 : vector<16xi1>, vector<16xf32>
      %broadcast_in_dim3A_314 = arith.constant 3 : i32
      %broadcast_in_dim3A_315 = vector.broadcast %broadcast_in_dim3A_314 : i32 to vector<16xi32>
      %select_n3A_316 = arith.select %gt3A_312, %broadcast_in_dim3A_315, %select_n3A_307 : vector<16xi1>, vector<16xi32>
      %add3A_317 = arith.constant 53 : i32
      %add3A_318 = vector.broadcast %add3A_317 : i32 to vector<16xi32>
      %add3A_319 = arith.addi %mul3A_20, %add3A_318 : vector<16xi32>
      %gather3A_320 = tpu.vector_load_idx %arg5[%add3A_319] : memref<51840xf32, #tpu.memory_space<vmem>>[vector<16xi32>], vector<16xf32>,
      %gt3A_321 = arith.cmpf ogt, %gather3A_320, %select_n3A_313 : vector<16xf32>
      %select_n3A_322 = arith.select %gt3A_321, %gather3A_320, %select_n3A_313 : vector<16xi1>, vector<16xf32>
      %broadcast_in_dim3A_323 = arith.constant 4 : i32
      %broadcast_in_dim3A_324 = vector.broadcast %broadcast_in_dim3A_323 : i32 to vector<16xi32>
      %select_n3A_325 = arith.select %gt3A_321, %broadcast_in_dim3A_324, %select_n3A_316 : vector<16xi1>, vector<16xi32>
      %add3A_326 = arith.constant 54 : i32
      %add3A_327 = vector.broadcast %add3A_326 : i32 to vector<16xi32>
      %add3A_328 = arith.addi %mul3A_20, %add3A_327 : vector<16xi32>
      %gather3A_329 = tpu.vector_load_idx %arg5[%add3A_328] : memref<51840xf32, #tpu.memory_space<vmem>>[vector<16xi32>], vector<16xf32>,
      %gt3A_330 = arith.cmpf ogt, %gather3A_329, %select_n3A_322 : vector<16xf32>
      %select_n3A_331 = arith.select %gt3A_330, %gather3A_329, %select_n3A_322 : vector<16xi1>, vector<16xf32>
      %broadcast_in_dim3A_332 = arith.constant 5 : i32
      %broadcast_in_dim3A_333 = vector.broadcast %broadcast_in_dim3A_332 : i32 to vector<16xi32>
      %select_n3A_334 = arith.select %gt3A_330, %broadcast_in_dim3A_333, %select_n3A_325 : vector<16xi1>, vector<16xi32>
      %add3A_335 = arith.constant 55 : i32
      %add3A_336 = vector.broadcast %add3A_335 : i32 to vector<16xi32>
      %add3A_337 = arith.addi %mul3A_20, %add3A_336 : vector<16xi32>
      %gather3A_338 = tpu.vector_load_idx %arg5[%add3A_337] : memref<51840xf32, #tpu.memory_space<vmem>>[vector<16xi32>], vector<16xf32>,
      %gt3A_339 = arith.cmpf ogt, %gather3A_338, %select_n3A_331 : vector<16xf32>
      %select_n3A_340 = arith.select %gt3A_339, %gather3A_338, %select_n3A_331 : vector<16xi1>, vector<16xf32>
      %broadcast_in_dim3A_341 = arith.constant 6 : i32
      %broadcast_in_dim3A_342 = vector.broadcast %broadcast_in_dim3A_341 : i32 to vector<16xi32>
      %select_n3A_343 = arith.select %gt3A_339, %broadcast_in_dim3A_342, %select_n3A_334 : vector<16xi1>, vector<16xi32>
      %add3A_344 = arith.constant 56 : i32
      %add3A_345 = vector.broadcast %add3A_344 : i32 to vector<16xi32>
      %add3A_346 = arith.addi %mul3A_20, %add3A_345 : vector<16xi32>
      %gather3A_347 = tpu.vector_load_idx %arg5[%add3A_346] : memref<51840xf32, #tpu.memory_space<vmem>>[vector<16xi32>], vector<16xf32>,
      %gt3A_348 = arith.cmpf ogt, %gather3A_347, %select_n3A_340 : vector<16xf32>
      %select_n3A_349 = arith.select %gt3A_348, %gather3A_347, %select_n3A_340 : vector<16xi1>, vector<16xf32>
      %broadcast_in_dim3A_350 = arith.constant 7 : i32
      %broadcast_in_dim3A_351 = vector.broadcast %broadcast_in_dim3A_350 : i32 to vector<16xi32>
      %select_n3A_352 = arith.select %gt3A_348, %broadcast_in_dim3A_351, %select_n3A_343 : vector<16xi1>, vector<16xi32>
      %add3A_353 = arith.constant 57 : i32
      %add3A_354 = vector.broadcast %add3A_353 : i32 to vector<16xi32>
      %add3A_355 = arith.addi %mul3A_20, %add3A_354 : vector<16xi32>
      %gather3A_356 = tpu.vector_load_idx %arg5[%add3A_355] : memref<51840xf32, #tpu.memory_space<vmem>>[vector<16xi32>], vector<16xf32>,
      %gt3A_357 = arith.cmpf ogt, %gather3A_356, %select_n3A_349 : vector<16xf32>
      %select_n3A_358 = arith.select %gt3A_357, %gather3A_356, %select_n3A_349 : vector<16xi1>, vector<16xf32>
      %broadcast_in_dim3A_359 = arith.constant 8 : i32
      %broadcast_in_dim3A_360 = vector.broadcast %broadcast_in_dim3A_359 : i32 to vector<16xi32>
      %select_n3A_361 = arith.select %gt3A_357, %broadcast_in_dim3A_360, %select_n3A_352 : vector<16xi1>, vector<16xi32>
      %add3A_362 = arith.constant 58 : i32
      %add3A_363 = vector.broadcast %add3A_362 : i32 to vector<16xi32>
      %add3A_364 = arith.addi %mul3A_20, %add3A_363 : vector<16xi32>
      %gather3A_365 = tpu.vector_load_idx %arg5[%add3A_364] : memref<51840xf32, #tpu.memory_space<vmem>>[vector<16xi32>], vector<16xf32>,
      %gt3A_366 = arith.cmpf ogt, %gather3A_365, %select_n3A_358 : vector<16xf32>
      %select_n3A_367 = arith.select %gt3A_366, %gather3A_365, %select_n3A_358 : vector<16xi1>, vector<16xf32>
      %broadcast_in_dim3A_368 = arith.constant 9 : i32
      %broadcast_in_dim3A_369 = vector.broadcast %broadcast_in_dim3A_368 : i32 to vector<16xi32>
      %select_n3A_370 = arith.select %gt3A_366, %broadcast_in_dim3A_369, %select_n3A_361 : vector<16xi1>, vector<16xi32>
      %add3A_371 = arith.constant 59 : i32
      %add3A_372 = vector.broadcast %add3A_371 : i32 to vector<16xi32>
      %add3A_373 = arith.addi %mul3A_20, %add3A_372 : vector<16xi32>
      %gather3A_374 = tpu.vector_load_idx %arg5[%add3A_373] : memref<51840xf32, #tpu.memory_space<vmem>>[vector<16xi32>], vector<16xf32>,
      %gt3A_375 = arith.cmpf ogt, %gather3A_374, %select_n3A_367 : vector<16xf32>
      %select_n3A_376 = arith.select %gt3A_375, %gather3A_374, %select_n3A_367 : vector<16xi1>, vector<16xf32>
      %broadcast_in_dim3A_377 = arith.constant 10 : i32
      %broadcast_in_dim3A_378 = vector.broadcast %broadcast_in_dim3A_377 : i32 to vector<16xi32>
      %select_n3A_379 = arith.select %gt3A_375, %broadcast_in_dim3A_378, %select_n3A_370 : vector<16xi1>, vector<16xi32>
      %add3A_380 = arith.constant 60 : i32
      %add3A_381 = vector.broadcast %add3A_380 : i32 to vector<16xi32>
      %add3A_382 = arith.addi %mul3A_20, %add3A_381 : vector<16xi32>
      %gather3A_383 = tpu.vector_load_idx %arg5[%add3A_382] : memref<51840xf32, #tpu.memory_space<vmem>>[vector<16xi32>], vector<16xf32>,
      %gt3A_384 = arith.cmpf ogt, %gather3A_383, %select_n3A_376 : vector<16xf32>
      %select_n3A_385 = arith.select %gt3A_384, %gather3A_383, %select_n3A_376 : vector<16xi1>, vector<16xf32>
      %broadcast_in_dim3A_386 = arith.constant 11 : i32
      %broadcast_in_dim3A_387 = vector.broadcast %broadcast_in_dim3A_386 : i32 to vector<16xi32>
      %select_n3A_388 = arith.select %gt3A_384, %broadcast_in_dim3A_387, %select_n3A_379 : vector<16xi1>, vector<16xi32>
      %add3A_389 = arith.constant 48 : i32
      %add3A_390 = vector.broadcast %add3A_389 : i32 to vector<16xi32>
      %add3A_391 = arith.addi %mul3A_20, %add3A_390 : vector<16xi32>
      %add3A_392 = arith.constant 1 : i32
      %add3A_393 = vector.broadcast %add3A_392 : i32 to vector<16xi32>
      %add3A_394 = arith.addi %add3A_391, %add3A_393 : vector<16xi32>
      %add3A_395 = arith.constant 12 : i32
      %add3A_396 = vector.broadcast %add3A_395 : i32 to vector<16xi32>
      %add3A_397 = arith.addi %add3A_394, %add3A_396 : vector<16xi32>
      %add3A_398 = arith.addi %add3A_397, %select_n3A_388 : vector<16xi32>
      %gather3A_399 = tpu.vector_load_idx %arg5[%add3A_398] : memref<51840xf32, #tpu.memory_space<vmem>>[vector<16xi32>], vector<16xf32>,
      %mul3A_400 = arith.constant 0.261799395 : f32
      %mul3A_401 = vector.broadcast %mul3A_400 : f32 to vector<16xf32>
      %mul3A_402 = arith.mulf %gather3A_399, %mul3A_401 : vector<16xf32>
      %convert_element_type3A_403 = arith.sitofp %select_n3A_388 : vector<16xi32> to vector<16xf32>
      %mul3A_404 = arith.constant 0.52359879 : f32
      %mul3A_405 = vector.broadcast %mul3A_404 : f32 to vector<16xf32>
      %mul3A_406 = arith.mulf %convert_element_type3A_403, %mul3A_405 : vector<16xf32>
      %add3A_407 = arith.addf %mul3A_406, %mul3A_402 : vector<16xf32>
      %broadcast_in_dim3A_408 = arith.constant 6.28318548 : f32
      %broadcast_in_dim3A_409 = vector.broadcast %broadcast_in_dim3A_408 : f32 to vector<16xf32>
      %rem3A = arith.remf %add3A_407, %broadcast_in_dim3A_409 : vector<16xf32>
      %lt3A = arith.constant 0.000000e+00 : f32
      %lt3A_410 = vector.broadcast %lt3A : f32 to vector<16xf32>
      %lt3A_411 = arith.cmpf olt, %rem3A, %lt3A_410 : vector<16xf32>
      %add3A_412 = arith.constant 6.28318548 : f32
      %add3A_413 = vector.broadcast %add3A_412 : f32 to vector<16xf32>
      %add3A_414 = arith.addf %rem3A, %add3A_413 : vector<16xf32>
      %select_n3A_415 = arith.select %lt3A_411, %add3A_414, %rem3A : vector<16xi1>, vector<16xf32>
      %gt3A_416 = arith.constant 3.14159274 : f32
      %gt3A_417 = vector.broadcast %gt3A_416 : f32 to vector<16xf32>
      %gt3A_418 = arith.cmpf ogt, %select_n3A_415, %gt3A_417 : vector<16xf32>
      %sub3A_419 = arith.constant 6.28318548 : f32
      %sub3A_420 = vector.broadcast %sub3A_419 : f32 to vector<16xf32>
      %sub3A_421 = arith.subf %select_n3A_415, %sub3A_420 : vector<16xf32>
      %select_n3A_422 = arith.select %gt3A_418, %sub3A_421, %select_n3A_415 : vector<16xi1>, vector<16xf32>
      %add3A_423 = arith.constant 73 : i32
      %add3A_424 = vector.broadcast %add3A_423 : i32 to vector<16xi32>
      %add3A_425 = arith.addi %mul3A_20, %add3A_424 : vector<16xi32>
      %gather3A_426 = tpu.vector_load_idx %arg5[%add3A_425] : memref<51840xf32, #tpu.memory_space<vmem>>[vector<16xi32>], vector<16xf32>,
      %mul3A_427 = arith.constant 1.530000e+00 : f32
      %mul3A_428 = vector.broadcast %mul3A_427 : f32 to vector<16xf32>
      %mul3A_429 = arith.mulf %gather3A_426, %mul3A_428 : vector<16xf32>
      %add3A_430 = arith.constant 1.530000e+00 : f32
      %add3A_431 = vector.broadcast %add3A_430 : f32 to vector<16xf32>
      %add3A_432 = arith.addf %mul3A_429, %add3A_431 : vector<16xf32>
      %add3A_433 = arith.constant 74 : i32
      %add3A_434 = vector.broadcast %add3A_433 : i32 to vector<16xi32>
      %add3A_435 = arith.addi %mul3A_20, %add3A_434 : vector<16xi32>
      %gather3A_436 = tpu.vector_load_idx %arg5[%add3A_435] : memref<51840xf32, #tpu.memory_space<vmem>>[vector<16xi32>], vector<16xf32>,
      %mul3A_437 = arith.constant 1.630000e+00 : f32
      %mul3A_438 = vector.broadcast %mul3A_437 : f32 to vector<16xf32>
      %mul3A_439 = arith.mulf %gather3A_436, %mul3A_438 : vector<16xf32>
      %add3A_440 = arith.constant 1.630000e+00 : f32
      %add3A_441 = vector.broadcast %add3A_440 : f32 to vector<16xf32>
      %add3A_442 = arith.addf %mul3A_439, %add3A_441 : vector<16xf32>
      %add3A_443 = arith.constant 75 : i32
      %add3A_444 = vector.broadcast %add3A_443 : i32 to vector<16xi32>
      %add3A_445 = arith.addi %mul3A_20, %add3A_444 : vector<16xi32>
      %gather3A_446 = tpu.vector_load_idx %arg5[%add3A_445] : memref<51840xf32, #tpu.memory_space<vmem>>[vector<16xi32>], vector<16xf32>,
      %mul3A_447 = arith.constant 3.880000e+00 : f32
      %mul3A_448 = vector.broadcast %mul3A_447 : f32 to vector<16xf32>
      %mul3A_449 = arith.mulf %gather3A_446, %mul3A_448 : vector<16xf32>
      %add3A_450 = arith.constant 3.880000e+00 : f32
      %add3A_451 = vector.broadcast %add3A_450 : f32 to vector<16xf32>
      %add3A_452 = arith.addf %mul3A_449, %add3A_451 : vector<16xf32>
      %add3A_453 = arith.addf %add3A_262, %gather3A_270 : vector<16xf32>
      %add3A_454 = arith.addf %add3A_266, %gather3A_278 : vector<16xf32>
      %div3A = arith.constant 2.000000e+00 : f32
      %div3A_455 = vector.broadcast %div3A : f32 to vector<16xf32>
      %div3A_456 = arith.divf %add3A_432, %div3A_455 : vector<16xf32>
      %div3A_457 = arith.constant 2.000000e+00 : f32
      %div3A_458 = vector.broadcast %div3A_457 : f32 to vector<16xf32>
      %div3A_459 = arith.divf %add3A_452, %div3A_458 : vector<16xf32>
      %sub3A_460 = arith.subf %add3A_453, %div3A_456 : vector<16xf32>
      %sub3A_461 = arith.subf %add3A_454, %div3A_459 : vector<16xf32>
      %add3A_462 = arith.addf %add3A_453, %div3A_456 : vector<16xf32>
      %add3A_463 = arith.addf %add3A_454, %div3A_459 : vector<16xf32>
      %mul3A_464 = arith.constant 16 : i32
      %mul3A_465 = arith.muli %scan3A_13, %mul3A_464 : i32
      %add3A_466 = arith.constant 0 : i32
      %add3A_467 = arith.addi %add3A_466, %mul3A_465 : i32
      %swap3A = arith.index_cast %add3A_467 : i32 to index
      %swap3A_468 = tpu.vector_load %arg7[%swap3A] {strides = array<i32>} : memref<10240xf32, #tpu.memory_space<vmem>>, vector<16xf32>,
      tpu.vector_store %arg7[%swap3A], %add3A_453 {strides = array<i32>} : memref<10240xf32, #tpu.memory_space<vmem>>, vector<16xf32>,
      %mul3A_469 = arith.constant 16 : i32
      %mul3A_470 = arith.muli %scan3A_13, %mul3A_469 : i32
      %add3A_471 = arith.constant 640 : i32
      %add3A_472 = arith.addi %add3A_471, %mul3A_470 : i32
      %swap3A_473 = arith.index_cast %add3A_472 : i32 to index
      %swap3A_474 = tpu.vector_load %arg7[%swap3A_473] {strides = array<i32>} : memref<10240xf32, #tpu.memory_space<vmem>>, vector<16xf32>,
      tpu.vector_store %arg7[%swap3A_473], %add3A_283 {strides = array<i32>} : memref<10240xf32, #tpu.memory_space<vmem>>, vector<16xf32>,
      %mul3A_475 = arith.constant 16 : i32
      %mul3A_476 = arith.muli %scan3A_13, %mul3A_475 : i32
      %add3A_477 = arith.constant 1280 : i32
      %add3A_478 = arith.addi %add3A_477, %mul3A_476 : i32
      %swap3A_479 = arith.index_cast %add3A_478 : i32 to index
      %swap3A_480 = tpu.vector_load %arg7[%swap3A_479] {strides = array<i32>} : memref<10240xf32, #tpu.memory_space<vmem>>, vector<16xf32>,
      tpu.vector_store %arg7[%swap3A_479], %add3A_454 {strides = array<i32>} : memref<10240xf32, #tpu.memory_space<vmem>>, vector<16xf32>,
      %mul3A_481 = arith.constant 16 : i32
      %mul3A_482 = arith.muli %scan3A_13, %mul3A_481 : i32
      %add3A_483 = arith.constant 1920 : i32
      %add3A_484 = arith.addi %add3A_483, %mul3A_482 : i32
      %swap3A_485 = arith.index_cast %add3A_484 : i32 to index
      %swap3A_486 = tpu.vector_load %arg7[%swap3A_485] {strides = array<i32>} : memref<10240xf32, #tpu.memory_space<vmem>>, vector<16xf32>,
      tpu.vector_store %arg7[%swap3A_485], %add3A_432 {strides = array<i32>} : memref<10240xf32, #tpu.memory_space<vmem>>, vector<16xf32>,
      %mul3A_487 = arith.constant 16 : i32
      %mul3A_488 = arith.muli %scan3A_13, %mul3A_487 : i32
      %add3A_489 = arith.constant 2560 : i32
      %add3A_490 = arith.addi %add3A_489, %mul3A_488 : i32
      %swap3A_491 = arith.index_cast %add3A_490 : i32 to index
      %swap3A_492 = tpu.vector_load %arg7[%swap3A_491] {strides = array<i32>} : memref<10240xf32, #tpu.memory_space<vmem>>, vector<16xf32>,
      tpu.vector_store %arg7[%swap3A_491], %add3A_442 {strides = array<i32>} : memref<10240xf32, #tpu.memory_space<vmem>>, vector<16xf32>,
      %mul3A_493 = arith.constant 16 : i32
      %mul3A_494 = arith.muli %scan3A_13, %mul3A_493 : i32
      %add3A_495 = arith.constant 3200 : i32
      %add3A_496 = arith.addi %add3A_495, %mul3A_494 : i32
      %swap3A_497 = arith.index_cast %add3A_496 : i32 to index
      %swap3A_498 = tpu.vector_load %arg7[%swap3A_497] {strides = array<i32>} : memref<10240xf32, #tpu.memory_space<vmem>>, vector<16xf32>,
      tpu.vector_store %arg7[%swap3A_497], %add3A_452 {strides = array<i32>} : memref<10240xf32, #tpu.memory_space<vmem>>, vector<16xf32>,
      %mul3A_499 = arith.constant 16 : i32
      %mul3A_500 = arith.muli %scan3A_13, %mul3A_499 : i32
      %add3A_501 = arith.constant 3840 : i32
      %add3A_502 = arith.addi %add3A_501, %mul3A_500 : i32
      %swap3A_503 = arith.index_cast %add3A_502 : i32 to index
      %swap3A_504 = tpu.vector_load %arg7[%swap3A_503] {strides = array<i32>} : memref<10240xf32, #tpu.memory_space<vmem>>, vector<16xf32>,
      tpu.vector_store %arg7[%swap3A_503], %select_n3A_422 {strides = array<i32>} : memref<10240xf32, #tpu.memory_space<vmem>>, vector<16xf32>,
      %mul3A_505 = arith.constant 16 : i32
      %mul3A_506 = arith.muli %scan3A_13, %mul3A_505 : i32
      %add3A_507 = arith.constant 4480 : i32
      %add3A_508 = arith.addi %add3A_507, %mul3A_506 : i32
      %swap3A_509 = arith.index_cast %add3A_508 : i32 to index
      %swap3A_510 = tpu.vector_load %arg7[%swap3A_509] {strides = array<i32>} : memref<10240xf32, #tpu.memory_space<vmem>>, vector<16xf32>,
      tpu.vector_store %arg7[%swap3A_509], %broadcast_in_dim3A_7 {strides = array<i32>} : memref<10240xf32, #tpu.memory_space<vmem>>, vector<16xf32>,
      %mul3A_511 = arith.constant 16 : i32
      %mul3A_512 = arith.muli %scan3A_13, %mul3A_511 : i32
      %add3A_513 = arith.constant 5120 : i32
      %add3A_514 = arith.addi %add3A_513, %mul3A_512 : i32
      %swap3A_515 = arith.index_cast %add3A_514 : i32 to index
      %swap3A_516 = tpu.vector_load %arg7[%swap3A_515] {strides = array<i32>} : memref<10240xf32, #tpu.memory_space<vmem>>, vector<16xf32>,
      tpu.vector_store %arg7[%swap3A_515], %sub3A_460 {strides = array<i32>} : memref<10240xf32, #tpu.memory_space<vmem>>, vector<16xf32>,
      %mul3A_517 = arith.constant 16 : i32
      %mul3A_518 = arith.muli %scan3A_13, %mul3A_517 : i32
      %add3A_519 = arith.constant 5760 : i32
      %add3A_520 = arith.addi %add3A_519, %mul3A_518 : i32
      %swap3A_521 = arith.index_cast %add3A_520 : i32 to index
      %swap3A_522 = tpu.vector_load %arg7[%swap3A_521] {strides = array<i32>} : memref<10240xf32, #tpu.memory_space<vmem>>, vector<16xf32>,
      tpu.vector_store %arg7[%swap3A_521], %sub3A_461 {strides = array<i32>} : memref<10240xf32, #tpu.memory_space<vmem>>, vector<16xf32>,
      %mul3A_523 = arith.constant 16 : i32
      %mul3A_524 = arith.muli %scan3A_13, %mul3A_523 : i32
      %add3A_525 = arith.constant 6400 : i32
      %add3A_526 = arith.addi %add3A_525, %mul3A_524 : i32
      %swap3A_527 = arith.index_cast %add3A_526 : i32 to index
      %swap3A_528 = tpu.vector_load %arg7[%swap3A_527] {strides = array<i32>} : memref<10240xf32, #tpu.memory_space<vmem>>, vector<16xf32>,
      tpu.vector_store %arg7[%swap3A_527], %add3A_462 {strides = array<i32>} : memref<10240xf32, #tpu.memory_space<vmem>>, vector<16xf32>,
      %mul3A_529 = arith.constant 16 : i32
      %mul3A_530 = arith.muli %scan3A_13, %mul3A_529 : i32
      %add3A_531 = arith.constant 7040 : i32
      %add3A_532 = arith.addi %add3A_531, %mul3A_530 : i32
      %swap3A_533 = arith.index_cast %add3A_532 : i32 to index
      %swap3A_534 = tpu.vector_load %arg7[%swap3A_533] {strides = array<i32>} : memref<10240xf32, #tpu.memory_space<vmem>>, vector<16xf32>,
      tpu.vector_store %arg7[%swap3A_533], %add3A_463 {strides = array<i32>} : memref<10240xf32, #tpu.memory_space<vmem>>, vector<16xf32>,
      %mul3A_535 = arith.constant 16 : i32
      %mul3A_536 = arith.muli %scan3A_13, %mul3A_535 : i32
      %add3A_537 = arith.constant 7680 : i32
      %add3A_538 = arith.addi %add3A_537, %mul3A_536 : i32
      %swap3A_539 = arith.index_cast %add3A_538 : i32 to index
      %swap3A_540 = tpu.vector_load %arg7[%swap3A_539] {strides = array<i32>} : memref<10240xf32, #tpu.memory_space<vmem>>, vector<16xf32>,
      tpu.vector_store %arg7[%swap3A_539], %broadcast_in_dim3A_7 {strides = array<i32>} : memref<10240xf32, #tpu.memory_space<vmem>>, vector<16xf32>,
      %mul3A_541 = arith.constant 16 : i32
      %mul3A_542 = arith.muli %scan3A_13, %mul3A_541 : i32
      %add3A_543 = arith.constant 8320 : i32
      %add3A_544 = arith.addi %add3A_543, %mul3A_542 : i32
      %swap3A_545 = arith.index_cast %add3A_544 : i32 to index
      %swap3A_546 = tpu.vector_load %arg7[%swap3A_545] {strides = array<i32>} : memref<10240xf32, #tpu.memory_space<vmem>>, vector<16xf32>,
      tpu.vector_store %arg7[%swap3A_545], %broadcast_in_dim3A_7 {strides = array<i32>} : memref<10240xf32, #tpu.memory_space<vmem>>, vector<16xf32>,
      %mul3A_547 = arith.constant 16 : i32
      %mul3A_548 = arith.muli %scan3A_13, %mul3A_547 : i32
      %add3A_549 = arith.constant 8960 : i32
      %add3A_550 = arith.addi %add3A_549, %mul3A_548 : i32
      %swap3A_551 = arith.index_cast %add3A_550 : i32 to index
      %swap3A_552 = tpu.vector_load %arg7[%swap3A_551] {strides = array<i32>} : memref<10240xf32, #tpu.memory_space<vmem>>, vector<16xf32>,
      tpu.vector_store %arg7[%swap3A_551], %broadcast_in_dim3A_7 {strides = array<i32>} : memref<10240xf32, #tpu.memory_space<vmem>>, vector<16xf32>,
      %mul3A_553 = arith.constant 16 : i32
      %mul3A_554 = arith.muli %scan3A_13, %mul3A_553 : i32
      %add3A_555 = arith.constant 9600 : i32
      %add3A_556 = arith.addi %add3A_555, %mul3A_554 : i32
      %swap3A_557 = arith.index_cast %add3A_556 : i32 to index
      %swap3A_558 = tpu.vector_load %arg7[%swap3A_557] {strides = array<i32>} : memref<10240xf32, #tpu.memory_space<vmem>>, vector<16xf32>,
      tpu.vector_store %arg7[%swap3A_557], %broadcast_in_dim3A_7 {strides = array<i32>} : memref<10240xf32, #tpu.memory_space<vmem>>, vector<16xf32>,
    }
    %scan3A_12 = arith.constant 40 : i32
    "tpu.region"() ({
      %run_scoped3A = tpu.sem_alloc : memref<!tpu.dma_semaphore, #tpu.memory_space<semaphore_mem>>
      %dma_start3A = arith.constant 0 : i32
      %dma_start3A_13 = tpu.memref_slice %arg4[%add3A, %dma_start3A] : memref<32x10240xf32, #tpu.memory_space<hbm>> -> memref<1x10240xf32, #tpu.memory_space<hbm>>
      %dma_start3A_14 = tpu.memref_squeeze %dma_start3A_13 : memref<1x10240xf32, #tpu.memory_space<hbm>> -> memref<10240xf32, #tpu.memory_space<hbm>>
      %dma_start3A_15 = arith.constant 0 : i32
      %dma_start3A_16 = tpu.memref_slice %arg4[%add3A, %dma_start3A_15] : memref<32x10240xf32, #tpu.memory_space<hbm>> -> memref<1x10240xf32, #tpu.memory_space<hbm>>
      %dma_start3A_17 = tpu.memref_squeeze %dma_start3A_16 : memref<1x10240xf32, #tpu.memory_space<hbm>> -> memref<10240xf32, #tpu.memory_space<hbm>>
      tpu.enqueue_dma source(%arg7 : memref<10240xf32, #tpu.memory_space<vmem>>) target(%dma_start3A_17 : memref<10240xf32, #tpu.memory_space<hbm>>) target_semaphore(%run_scoped3A : memref<!tpu.dma_semaphore, #tpu.memory_space<semaphore_mem>>)
      %dma_wait3A = arith.constant 0 : i32
      %dma_wait3A_18 = tpu.memref_slice %arg4[%add3A, %dma_wait3A] : memref<32x10240xf32, #tpu.memory_space<hbm>> -> memref<1x10240xf32, #tpu.memory_space<hbm>>
      %dma_wait3A_19 = tpu.memref_squeeze %dma_wait3A_18 : memref<1x10240xf32, #tpu.memory_space<hbm>> -> memref<10240xf32, #tpu.memory_space<hbm>>
      %dma_wait3A_20 = arith.constant 0 : i32
      %dma_wait3A_21 = tpu.memref_slice %arg4[%add3A, %dma_wait3A_20] : memref<32x10240xf32, #tpu.memory_space<hbm>> -> memref<1x10240xf32, #tpu.memory_space<hbm>>
      %dma_wait3A_22 = tpu.memref_squeeze %dma_wait3A_21 : memref<1x10240xf32, #tpu.memory_space<hbm>> -> memref<10240xf32, #tpu.memory_space<hbm>>
      tpu.wait_dma2 semaphore(%run_scoped3A : memref<!tpu.dma_semaphore, #tpu.memory_space<semaphore_mem>>) src(%arg7 : memref<10240xf32, #tpu.memory_space<vmem>>) dst(%dma_wait3A_22 : memref<10240xf32, #tpu.memory_space<hbm>>)
      tpu.yield
    }) : () -> ()
    return
  }
}

module attributes {stable_mosaic.version = 14 : i64} {
  func.func @_nms_body(%arg0: memref<20x8x128xf32, #tpu.memory_space<vmem>>, %arg1: memref<20x8x128xf32, #tpu.memory_space<vmem>>, %arg2: memref<20x8x128xf32, #tpu.memory_space<vmem>>, %arg3: memref<20x8x128xf32, #tpu.memory_space<vmem>>, %arg4: memref<20x8x128xf32, #tpu.memory_space<vmem>>, %arg5: memref<4x5120x8xf32, #tpu.memory_space<vmem>>, %arg6: memref<4x512x8xf32, #tpu.memory_space<vmem>>) attributes {dimension_semantics = [], scalar_prefetch = 0 : i64, scratch_operands = 0 : i64, tpu.core_type = #tpu.core_type<tc>} {
    %get3A = arith.constant 0 : index
    %get3A_0 = arith.constant 0 : index
    %get3A_1 = arith.constant 0 : index
    %get3A_2 = vector.load %arg0[%get3A, %get3A_0, %get3A_1] : memref<20x8x128xf32, #tpu.memory_space<vmem>>, vector<20x8x128xf32>
    %get3A_3 = arith.constant 0 : index
    %get3A_4 = arith.constant 0 : index
    %get3A_5 = arith.constant 0 : index
    %get3A_6 = vector.load %arg1[%get3A_3, %get3A_4, %get3A_5] : memref<20x8x128xf32, #tpu.memory_space<vmem>>, vector<20x8x128xf32>
    %get3A_7 = arith.constant 0 : index
    %get3A_8 = arith.constant 0 : index
    %get3A_9 = arith.constant 0 : index
    %get3A_10 = vector.load %arg2[%get3A_7, %get3A_8, %get3A_9] : memref<20x8x128xf32, #tpu.memory_space<vmem>>, vector<20x8x128xf32>
    %get3A_11 = arith.constant 0 : index
    %get3A_12 = arith.constant 0 : index
    %get3A_13 = arith.constant 0 : index
    %get3A_14 = vector.load %arg3[%get3A_11, %get3A_12, %get3A_13] : memref<20x8x128xf32, #tpu.memory_space<vmem>>, vector<20x8x128xf32>
    %get3A_15 = arith.constant 0 : index
    %get3A_16 = arith.constant 0 : index
    %get3A_17 = arith.constant 0 : index
    %get3A_18 = vector.load %arg4[%get3A_15, %get3A_16, %get3A_17] : memref<20x8x128xf32, #tpu.memory_space<vmem>>, vector<20x8x128xf32>
    %iota3A = tpu.iota {dimensions = array<i32: 0>} : vector<20x8x128xi32>
    %iota3A_19 = tpu.iota {dimensions = array<i32: 1>} : vector<20x8x128xi32>
    %iota3A_20 = tpu.iota {dimensions = array<i32: 2>} : vector<20x8x128xi32>
    %mul3A = arith.constant 256 : i32
    %mul3A_21 = vector.broadcast %mul3A : i32 to vector<20x8x128xi32>
    %mul3A_22 = arith.muli %iota3A, %mul3A_21 : vector<20x8x128xi32>
    %jit3A = arith.constant 4 : i32
    %div3A = vector.broadcast %jit3A : i32 to vector<20x8x128xi32>
    %div3A_23 = arith.divsi %iota3A_19, %div3A : vector<20x8x128xi32>
    %sign3A = arith.constant 0 : i32
    %sign3A_24 = vector.broadcast %sign3A : i32 to vector<20x8x128xi32>
    %sign3A_25 = arith.cmpi sgt, %iota3A_19, %sign3A_24 : vector<20x8x128xi32>
    %sign3A_26 = arith.extui %sign3A_25 : vector<20x8x128xi1> to vector<20x8x128xi32>
    %sign3A_27 = arith.constant 0 : i32
    %sign3A_28 = vector.broadcast %sign3A_27 : i32 to vector<20x8x128xi32>
    %sign3A_29 = arith.cmpi slt, %iota3A_19, %sign3A_28 : vector<20x8x128xi32>
    %sign3A_30 = arith.extui %sign3A_29 : vector<20x8x128xi1> to vector<20x8x128xi32>
    %sign3A_31 = arith.subi %sign3A_26, %sign3A_30 : vector<20x8x128xi32>
    %sign3A_32 = arith.constant 0 : i32
    %sign3A_33 = arith.cmpi sgt, %jit3A, %sign3A_32 : i32
    %sign3A_34 = arith.extui %sign3A_33 : i1 to i32
    %sign3A_35 = arith.constant 0 : i32
    %sign3A_36 = arith.cmpi slt, %jit3A, %sign3A_35 : i32
    %sign3A_37 = arith.extui %sign3A_36 : i1 to i32
    %sign3A_38 = arith.subi %sign3A_34, %sign3A_37 : i32
    %ne3A = vector.broadcast %sign3A_38 : i32 to vector<20x8x128xi32>
    %ne3A_39 = arith.cmpi ne, %sign3A_31, %ne3A : vector<20x8x128xi32>
    %rem3A = vector.broadcast %jit3A : i32 to vector<20x8x128xi32>
    %rem3A_40 = arith.remsi %iota3A_19, %rem3A : vector<20x8x128xi32>
    %ne3A_41 = arith.constant 0 : i32
    %ne3A_42 = vector.broadcast %ne3A_41 : i32 to vector<20x8x128xi32>
    %ne3A_43 = arith.cmpi ne, %rem3A_40, %ne3A_42 : vector<20x8x128xi32>
    %and3A = arith.andi %ne3A_39, %ne3A_43 : vector<20x8x128xi1>
    %sub3A = arith.constant 1 : i32
    %sub3A_44 = vector.broadcast %sub3A : i32 to vector<20x8x128xi32>
    %sub3A_45 = arith.subi %div3A_23, %sub3A_44 : vector<20x8x128xi32>
    %select_n3A = arith.select %and3A, %sub3A_45, %div3A_23 : vector<20x8x128xi1>, vector<20x8x128xi32>
    %mul3A_46 = arith.constant 128 : i32
    %mul3A_47 = vector.broadcast %mul3A_46 : i32 to vector<20x8x128xi32>
    %mul3A_48 = arith.muli %select_n3A, %mul3A_47 : vector<20x8x128xi32>
    %add3A = arith.addi %mul3A_22, %mul3A_48 : vector<20x8x128xi32>
    %add3A_49 = arith.addi %add3A, %iota3A_20 : vector<20x8x128xi32>
    %sub3A_50 = arith.subf %get3A_10, %get3A_2 : vector<20x8x128xf32>
    %sub3A_51 = arith.subf %get3A_14, %get3A_6 : vector<20x8x128xf32>
    %mul3A_52 = arith.mulf %sub3A_50, %sub3A_51 : vector<20x8x128xf32>
    %iota3A_53 = tpu.iota {dimensions = array<i32: 1>} : vector<1x8xi32>
    %lt3A = arith.constant 5000 : i32
    %lt3A_54 = vector.broadcast %lt3A : i32 to vector<20x8x128xi32>
    %lt3A_55 = arith.cmpi slt, %add3A_49, %lt3A_54 : vector<20x8x128xi32>
    %convert_element_type3A = arith.extui %lt3A_55 : vector<20x8x128xi1> to vector<20x8x128xi32>
    %convert_element_type3A_56 = arith.sitofp %convert_element_type3A : vector<20x8x128xi32> to vector<20x8x128xf32>
    %broadcast_in_dim3A = arith.constant 0 : i32
    %broadcast_in_dim3A_57 = vector.broadcast %broadcast_in_dim3A : i32 to vector<8x1xi32>
    %broadcast_in_dim3A_58 = arith.constant 0xFF800000 : f32
    %broadcast_in_dim3A_59 = vector.broadcast %broadcast_in_dim3A_58 : f32 to vector<8x1xf32>
    %scan3A = arith.constant 0 : i32
    %scan3A_60 = arith.constant 512 : i32
    %scan3A_61 = arith.addi %scan3A, %scan3A_60 : i32
    %scan3A_62 = arith.constant 1 : i32
    %scan3A_63:3 = scf.for %scan3A_184 = %scan3A to %scan3A_61 step %scan3A_62 iter_args(%scan3A_185 = %convert_element_type3A_56, %scan3A_186 = %broadcast_in_dim3A_57, %scan3A_187 = %broadcast_in_dim3A_59) -> (vector<20x8x128xf32>, vector<8x1xi32>, vector<8x1xf32>)  : i32 {
      %sub3A_188 = arith.constant 1 : i32
      %sub3A_189 = arith.subi %scan3A_184, %sub3A_188 : i32
      %max3A = arith.constant 0 : i32
      %max3A_190 = arith.maxsi %sub3A_189, %max3A : i32
      %slice3A_191 = vector.extract_strided_slice %scan3A_187 {offsets = [0, 0], sizes = [1, 1], strides = [1, 1]} : vector<8x1xf32> to vector<1x1xf32>
      %squeeze3A_192 = vector.extract %slice3A_191[0, 0] : f32 from vector<1x1xf32>
      %gt3A_193 = arith.constant 0xFF800000 : f32
      %gt3A_194 = arith.cmpf ogt, %squeeze3A_192, %gt3A_193 : f32
      %slice3A_195 = vector.extract_strided_slice %scan3A_186 {offsets = [0, 0], sizes = [1, 1], strides = [1, 1]} : vector<8x1xi32> to vector<1x1xi32>
      %squeeze3A_196 = vector.extract %slice3A_195[0, 0] : i32 from vector<1x1xi32>
      %jit3A_197 = arith.constant 0 : i32
      %select_n3A_198 = arith.select %gt3A_194, %squeeze3A_196, %jit3A_197 : i32
      %convert_element_type3A_199 = arith.extui %gt3A_194 : i1 to i32
      %convert_element_type3A_200 = arith.sitofp %convert_element_type3A_199 : i32 to f32
      %get3A_201 = arith.constant 0 : index
      %get3A_202 = arith.index_cast %select_n3A_198 : i32 to index
      %get3A_203 = arith.constant 0 : index
      %get3A_204 = vector.load %arg5[%get3A_201, %get3A_202, %get3A_203] : memref<4x5120x8xf32, #tpu.memory_space<vmem>>, vector<1x1x8xf32>
      %get3A_205 = vector.shape_cast %get3A_204 : vector<1x1x8xf32> to vector<1x8xf32>
      %eq3A_206 = arith.constant 7 : i32
      %eq3A_207 = vector.broadcast %eq3A_206 : i32 to vector<1x8xi32>
      %eq3A_208 = arith.cmpi eq, %iota3A_53, %eq3A_207 : vector<1x8xi32>
      %jit3A_209 = arith.constant 0.000000e+00 : f32
      %broadcast_in_dim3A_210 = vector.broadcast %squeeze3A_192 : f32 to vector<1x8xf32>
      %broadcast_in_dim3A_211 = vector.broadcast %jit3A_209 : f32 to vector<1x8xf32>
      %select_n3A_212 = arith.select %eq3A_208, %broadcast_in_dim3A_210, %broadcast_in_dim3A_211 : vector<1x8xi1>, vector<1x8xf32>
      %add3A_213 = arith.addf %get3A_205, %select_n3A_212 : vector<1x8xf32>
      %mul3A_214 = vector.broadcast %convert_element_type3A_200 : f32 to vector<1x8xf32>
      %mul3A_215 = arith.mulf %add3A_213, %mul3A_214 : vector<1x8xf32>
      %swap3A_216 = arith.constant 0 : index
      %swap3A_217 = arith.index_cast %max3A_190 : i32 to index
      %swap3A_218 = arith.constant 0 : index
      %swap3A_219 = vector.load %arg6[%swap3A_216, %swap3A_217, %swap3A_218] : memref<4x512x8xf32, #tpu.memory_space<vmem>>, vector<1x1x8xf32>
      %swap3A_220 = vector.shape_cast %swap3A_219 : vector<1x1x8xf32> to vector<1x8xf32>
      %swap3A_221 = vector.shape_cast %mul3A_215 : vector<1x8xf32> to vector<1x1x8xf32>
      tpu.vector_store %arg6[%swap3A_216, %swap3A_217, %swap3A_218], %swap3A_221 {strides = array<i32>} : memref<4x512x8xf32, #tpu.memory_space<vmem>>, vector<1x1x8xf32>,
      %slice3A_222 = vector.extract_strided_slice %scan3A_187 {offsets = [1, 0], sizes = [1, 1], strides = [1, 1]} : vector<8x1xf32> to vector<1x1xf32>
      %squeeze3A_223 = vector.extract %slice3A_222[0, 0] : f32 from vector<1x1xf32>
      %gt3A_224 = arith.constant 0xFF800000 : f32
      %gt3A_225 = arith.cmpf ogt, %squeeze3A_223, %gt3A_224 : f32
      %slice3A_226 = vector.extract_strided_slice %scan3A_186 {offsets = [1, 0], sizes = [1, 1], strides = [1, 1]} : vector<8x1xi32> to vector<1x1xi32>
      %squeeze3A_227 = vector.extract %slice3A_226[0, 0] : i32 from vector<1x1xi32>
      %jit3A_228 = arith.constant 0 : i32
      %select_n3A_229 = arith.select %gt3A_225, %squeeze3A_227, %jit3A_228 : i32
      %convert_element_type3A_230 = arith.extui %gt3A_225 : i1 to i32
      %convert_element_type3A_231 = arith.sitofp %convert_element_type3A_230 : i32 to f32
      %get3A_232 = arith.constant 1 : index
      %get3A_233 = arith.index_cast %select_n3A_229 : i32 to index
      %get3A_234 = arith.constant 0 : index
      %get3A_235 = vector.load %arg5[%get3A_232, %get3A_233, %get3A_234] : memref<4x5120x8xf32, #tpu.memory_space<vmem>>, vector<1x1x8xf32>
      %get3A_236 = vector.shape_cast %get3A_235 : vector<1x1x8xf32> to vector<1x8xf32>
      %eq3A_237 = arith.constant 7 : i32
      %eq3A_238 = vector.broadcast %eq3A_237 : i32 to vector<1x8xi32>
      %eq3A_239 = arith.cmpi eq, %iota3A_53, %eq3A_238 : vector<1x8xi32>
      %jit3A_240 = arith.constant 0.000000e+00 : f32
      %broadcast_in_dim3A_241 = vector.broadcast %squeeze3A_223 : f32 to vector<1x8xf32>
      %broadcast_in_dim3A_242 = vector.broadcast %jit3A_240 : f32 to vector<1x8xf32>
      %select_n3A_243 = arith.select %eq3A_239, %broadcast_in_dim3A_241, %broadcast_in_dim3A_242 : vector<1x8xi1>, vector<1x8xf32>
      %add3A_244 = arith.addf %get3A_236, %select_n3A_243 : vector<1x8xf32>
      %mul3A_245 = vector.broadcast %convert_element_type3A_231 : f32 to vector<1x8xf32>
      %mul3A_246 = arith.mulf %add3A_244, %mul3A_245 : vector<1x8xf32>
      %swap3A_247 = arith.constant 1 : index
      %swap3A_248 = arith.index_cast %max3A_190 : i32 to index
      %swap3A_249 = arith.constant 0 : index
      %swap3A_250 = vector.load %arg6[%swap3A_247, %swap3A_248, %swap3A_249] : memref<4x512x8xf32, #tpu.memory_space<vmem>>, vector<1x1x8xf32>
      %swap3A_251 = vector.shape_cast %swap3A_250 : vector<1x1x8xf32> to vector<1x8xf32>
      %swap3A_252 = vector.shape_cast %mul3A_246 : vector<1x8xf32> to vector<1x1x8xf32>
      tpu.vector_store %arg6[%swap3A_247, %swap3A_248, %swap3A_249], %swap3A_252 {strides = array<i32>} : memref<4x512x8xf32, #tpu.memory_space<vmem>>, vector<1x1x8xf32>,
      %slice3A_253 = vector.extract_strided_slice %scan3A_187 {offsets = [2, 0], sizes = [1, 1], strides = [1, 1]} : vector<8x1xf32> to vector<1x1xf32>
      %squeeze3A_254 = vector.extract %slice3A_253[0, 0] : f32 from vector<1x1xf32>
      %gt3A_255 = arith.constant 0xFF800000 : f32
      %gt3A_256 = arith.cmpf ogt, %squeeze3A_254, %gt3A_255 : f32
      %slice3A_257 = vector.extract_strided_slice %scan3A_186 {offsets = [2, 0], sizes = [1, 1], strides = [1, 1]} : vector<8x1xi32> to vector<1x1xi32>
      %squeeze3A_258 = vector.extract %slice3A_257[0, 0] : i32 from vector<1x1xi32>
      %jit3A_259 = arith.constant 0 : i32
      %select_n3A_260 = arith.select %gt3A_256, %squeeze3A_258, %jit3A_259 : i32
      %convert_element_type3A_261 = arith.extui %gt3A_256 : i1 to i32
      %convert_element_type3A_262 = arith.sitofp %convert_element_type3A_261 : i32 to f32
      %get3A_263 = arith.constant 2 : index
      %get3A_264 = arith.index_cast %select_n3A_260 : i32 to index
      %get3A_265 = arith.constant 0 : index
      %get3A_266 = vector.load %arg5[%get3A_263, %get3A_264, %get3A_265] : memref<4x5120x8xf32, #tpu.memory_space<vmem>>, vector<1x1x8xf32>
      %get3A_267 = vector.shape_cast %get3A_266 : vector<1x1x8xf32> to vector<1x8xf32>
      %eq3A_268 = arith.constant 7 : i32
      %eq3A_269 = vector.broadcast %eq3A_268 : i32 to vector<1x8xi32>
      %eq3A_270 = arith.cmpi eq, %iota3A_53, %eq3A_269 : vector<1x8xi32>
      %jit3A_271 = arith.constant 0.000000e+00 : f32
      %broadcast_in_dim3A_272 = vector.broadcast %squeeze3A_254 : f32 to vector<1x8xf32>
      %broadcast_in_dim3A_273 = vector.broadcast %jit3A_271 : f32 to vector<1x8xf32>
      %select_n3A_274 = arith.select %eq3A_270, %broadcast_in_dim3A_272, %broadcast_in_dim3A_273 : vector<1x8xi1>, vector<1x8xf32>
      %add3A_275 = arith.addf %get3A_267, %select_n3A_274 : vector<1x8xf32>
      %mul3A_276 = vector.broadcast %convert_element_type3A_262 : f32 to vector<1x8xf32>
      %mul3A_277 = arith.mulf %add3A_275, %mul3A_276 : vector<1x8xf32>
      %swap3A_278 = arith.constant 2 : index
      %swap3A_279 = arith.index_cast %max3A_190 : i32 to index
      %swap3A_280 = arith.constant 0 : index
      %swap3A_281 = vector.load %arg6[%swap3A_278, %swap3A_279, %swap3A_280] : memref<4x512x8xf32, #tpu.memory_space<vmem>>, vector<1x1x8xf32>
      %swap3A_282 = vector.shape_cast %swap3A_281 : vector<1x1x8xf32> to vector<1x8xf32>
      %swap3A_283 = vector.shape_cast %mul3A_277 : vector<1x8xf32> to vector<1x1x8xf32>
      tpu.vector_store %arg6[%swap3A_278, %swap3A_279, %swap3A_280], %swap3A_283 {strides = array<i32>} : memref<4x512x8xf32, #tpu.memory_space<vmem>>, vector<1x1x8xf32>,
      %slice3A_284 = vector.extract_strided_slice %scan3A_187 {offsets = [3, 0], sizes = [1, 1], strides = [1, 1]} : vector<8x1xf32> to vector<1x1xf32>
      %squeeze3A_285 = vector.extract %slice3A_284[0, 0] : f32 from vector<1x1xf32>
      %gt3A_286 = arith.constant 0xFF800000 : f32
      %gt3A_287 = arith.cmpf ogt, %squeeze3A_285, %gt3A_286 : f32
      %slice3A_288 = vector.extract_strided_slice %scan3A_186 {offsets = [3, 0], sizes = [1, 1], strides = [1, 1]} : vector<8x1xi32> to vector<1x1xi32>
      %squeeze3A_289 = vector.extract %slice3A_288[0, 0] : i32 from vector<1x1xi32>
      %jit3A_290 = arith.constant 0 : i32
      %select_n3A_291 = arith.select %gt3A_287, %squeeze3A_289, %jit3A_290 : i32
      %convert_element_type3A_292 = arith.extui %gt3A_287 : i1 to i32
      %convert_element_type3A_293 = arith.sitofp %convert_element_type3A_292 : i32 to f32
      %get3A_294 = arith.constant 3 : index
      %get3A_295 = arith.index_cast %select_n3A_291 : i32 to index
      %get3A_296 = arith.constant 0 : index
      %get3A_297 = vector.load %arg5[%get3A_294, %get3A_295, %get3A_296] : memref<4x5120x8xf32, #tpu.memory_space<vmem>>, vector<1x1x8xf32>
      %get3A_298 = vector.shape_cast %get3A_297 : vector<1x1x8xf32> to vector<1x8xf32>
      %eq3A_299 = arith.constant 7 : i32
      %eq3A_300 = vector.broadcast %eq3A_299 : i32 to vector<1x8xi32>
      %eq3A_301 = arith.cmpi eq, %iota3A_53, %eq3A_300 : vector<1x8xi32>
      %jit3A_302 = arith.constant 0.000000e+00 : f32
      %broadcast_in_dim3A_303 = vector.broadcast %squeeze3A_285 : f32 to vector<1x8xf32>
      %broadcast_in_dim3A_304 = vector.broadcast %jit3A_302 : f32 to vector<1x8xf32>
      %select_n3A_305 = arith.select %eq3A_301, %broadcast_in_dim3A_303, %broadcast_in_dim3A_304 : vector<1x8xi1>, vector<1x8xf32>
      %add3A_306 = arith.addf %get3A_298, %select_n3A_305 : vector<1x8xf32>
      %mul3A_307 = vector.broadcast %convert_element_type3A_293 : f32 to vector<1x8xf32>
      %mul3A_308 = arith.mulf %add3A_306, %mul3A_307 : vector<1x8xf32>
      %swap3A_309 = arith.constant 3 : index
      %swap3A_310 = arith.index_cast %max3A_190 : i32 to index
      %swap3A_311 = arith.constant 0 : index
      %swap3A_312 = vector.load %arg6[%swap3A_309, %swap3A_310, %swap3A_311] : memref<4x512x8xf32, #tpu.memory_space<vmem>>, vector<1x1x8xf32>
      %swap3A_313 = vector.shape_cast %swap3A_312 : vector<1x1x8xf32> to vector<1x8xf32>
      %swap3A_314 = vector.shape_cast %mul3A_308 : vector<1x8xf32> to vector<1x1x8xf32>
      tpu.vector_store %arg6[%swap3A_309, %swap3A_310, %swap3A_311], %swap3A_314 {strides = array<i32>} : memref<4x512x8xf32, #tpu.memory_space<vmem>>, vector<1x1x8xf32>,
      %gt3A_315 = arith.constant 0.000000e+00 : f32
      %gt3A_316 = vector.broadcast %gt3A_315 : f32 to vector<20x8x128xf32>
      %gt3A_317 = arith.cmpf ogt, %scan3A_185, %gt3A_316 : vector<20x8x128xf32>
      %jit3A_318 = arith.constant 0xFF800000 : f32
      %broadcast_in_dim3A_319 = vector.broadcast %jit3A_318 : f32 to vector<20x8x128xf32>
      %select_n3A_320 = arith.select %gt3A_317, %get3A_18, %broadcast_in_dim3A_319 : vector<20x8x128xi1>, vector<20x8x128xf32>
      %slice3A_321 = vector.extract_strided_slice %select_n3A_320 {offsets = [0, 0, 0], sizes = [1, 8, 128], strides = [1, 1, 1]} : vector<20x8x128xf32> to vector<1x8x128xf32>
      %squeeze3A_322 = vector.shape_cast %slice3A_321 : vector<1x8x128xf32> to vector<8x128xf32>
      %slice3A_323 = vector.extract_strided_slice %select_n3A_320 {offsets = [1, 0, 0], sizes = [1, 8, 128], strides = [1, 1, 1]} : vector<20x8x128xf32> to vector<1x8x128xf32>
      %squeeze3A_324 = vector.shape_cast %slice3A_323 : vector<1x8x128xf32> to vector<8x128xf32>
      %slice3A_325 = vector.extract_strided_slice %select_n3A_320 {offsets = [2, 0, 0], sizes = [1, 8, 128], strides = [1, 1, 1]} : vector<20x8x128xf32> to vector<1x8x128xf32>
      %squeeze3A_326 = vector.shape_cast %slice3A_325 : vector<1x8x128xf32> to vector<8x128xf32>
      %slice3A_327 = vector.extract_strided_slice %select_n3A_320 {offsets = [3, 0, 0], sizes = [1, 8, 128], strides = [1, 1, 1]} : vector<20x8x128xf32> to vector<1x8x128xf32>
      %squeeze3A_328 = vector.shape_cast %slice3A_327 : vector<1x8x128xf32> to vector<8x128xf32>
      %slice3A_329 = vector.extract_strided_slice %select_n3A_320 {offsets = [4, 0, 0], sizes = [1, 8, 128], strides = [1, 1, 1]} : vector<20x8x128xf32> to vector<1x8x128xf32>
      %squeeze3A_330 = vector.shape_cast %slice3A_329 : vector<1x8x128xf32> to vector<8x128xf32>
      %slice3A_331 = vector.extract_strided_slice %select_n3A_320 {offsets = [5, 0, 0], sizes = [1, 8, 128], strides = [1, 1, 1]} : vector<20x8x128xf32> to vector<1x8x128xf32>
      %squeeze3A_332 = vector.shape_cast %slice3A_331 : vector<1x8x128xf32> to vector<8x128xf32>
      %slice3A_333 = vector.extract_strided_slice %select_n3A_320 {offsets = [6, 0, 0], sizes = [1, 8, 128], strides = [1, 1, 1]} : vector<20x8x128xf32> to vector<1x8x128xf32>
      %squeeze3A_334 = vector.shape_cast %slice3A_333 : vector<1x8x128xf32> to vector<8x128xf32>
      %slice3A_335 = vector.extract_strided_slice %select_n3A_320 {offsets = [7, 0, 0], sizes = [1, 8, 128], strides = [1, 1, 1]} : vector<20x8x128xf32> to vector<1x8x128xf32>
      %squeeze3A_336 = vector.shape_cast %slice3A_335 : vector<1x8x128xf32> to vector<8x128xf32>
      %slice3A_337 = vector.extract_strided_slice %select_n3A_320 {offsets = [8, 0, 0], sizes = [1, 8, 128], strides = [1, 1, 1]} : vector<20x8x128xf32> to vector<1x8x128xf32>
      %squeeze3A_338 = vector.shape_cast %slice3A_337 : vector<1x8x128xf32> to vector<8x128xf32>
      %slice3A_339 = vector.extract_strided_slice %select_n3A_320 {offsets = [9, 0, 0], sizes = [1, 8, 128], strides = [1, 1, 1]} : vector<20x8x128xf32> to vector<1x8x128xf32>
      %squeeze3A_340 = vector.shape_cast %slice3A_339 : vector<1x8x128xf32> to vector<8x128xf32>
      %slice3A_341 = vector.extract_strided_slice %select_n3A_320 {offsets = [10, 0, 0], sizes = [1, 8, 128], strides = [1, 1, 1]} : vector<20x8x128xf32> to vector<1x8x128xf32>
      %squeeze3A_342 = vector.shape_cast %slice3A_341 : vector<1x8x128xf32> to vector<8x128xf32>
      %slice3A_343 = vector.extract_strided_slice %select_n3A_320 {offsets = [11, 0, 0], sizes = [1, 8, 128], strides = [1, 1, 1]} : vector<20x8x128xf32> to vector<1x8x128xf32>
      %squeeze3A_344 = vector.shape_cast %slice3A_343 : vector<1x8x128xf32> to vector<8x128xf32>
      %slice3A_345 = vector.extract_strided_slice %select_n3A_320 {offsets = [12, 0, 0], sizes = [1, 8, 128], strides = [1, 1, 1]} : vector<20x8x128xf32> to vector<1x8x128xf32>
      %squeeze3A_346 = vector.shape_cast %slice3A_345 : vector<1x8x128xf32> to vector<8x128xf32>
      %slice3A_347 = vector.extract_strided_slice %select_n3A_320 {offsets = [13, 0, 0], sizes = [1, 8, 128], strides = [1, 1, 1]} : vector<20x8x128xf32> to vector<1x8x128xf32>
      %squeeze3A_348 = vector.shape_cast %slice3A_347 : vector<1x8x128xf32> to vector<8x128xf32>
      %slice3A_349 = vector.extract_strided_slice %select_n3A_320 {offsets = [14, 0, 0], sizes = [1, 8, 128], strides = [1, 1, 1]} : vector<20x8x128xf32> to vector<1x8x128xf32>
      %squeeze3A_350 = vector.shape_cast %slice3A_349 : vector<1x8x128xf32> to vector<8x128xf32>
      %slice3A_351 = vector.extract_strided_slice %select_n3A_320 {offsets = [15, 0, 0], sizes = [1, 8, 128], strides = [1, 1, 1]} : vector<20x8x128xf32> to vector<1x8x128xf32>
      %squeeze3A_352 = vector.shape_cast %slice3A_351 : vector<1x8x128xf32> to vector<8x128xf32>
      %slice3A_353 = vector.extract_strided_slice %select_n3A_320 {offsets = [16, 0, 0], sizes = [1, 8, 128], strides = [1, 1, 1]} : vector<20x8x128xf32> to vector<1x8x128xf32>
      %squeeze3A_354 = vector.shape_cast %slice3A_353 : vector<1x8x128xf32> to vector<8x128xf32>
      %slice3A_355 = vector.extract_strided_slice %select_n3A_320 {offsets = [17, 0, 0], sizes = [1, 8, 128], strides = [1, 1, 1]} : vector<20x8x128xf32> to vector<1x8x128xf32>
      %squeeze3A_356 = vector.shape_cast %slice3A_355 : vector<1x8x128xf32> to vector<8x128xf32>
      %slice3A_357 = vector.extract_strided_slice %select_n3A_320 {offsets = [18, 0, 0], sizes = [1, 8, 128], strides = [1, 1, 1]} : vector<20x8x128xf32> to vector<1x8x128xf32>
      %squeeze3A_358 = vector.shape_cast %slice3A_357 : vector<1x8x128xf32> to vector<8x128xf32>
      %slice3A_359 = vector.extract_strided_slice %select_n3A_320 {offsets = [19, 0, 0], sizes = [1, 8, 128], strides = [1, 1, 1]} : vector<20x8x128xf32> to vector<1x8x128xf32>
      %squeeze3A_360 = vector.shape_cast %slice3A_359 : vector<1x8x128xf32> to vector<8x128xf32>
      %max3A_361 = arith.maximumf %squeeze3A_322, %squeeze3A_324 : vector<8x128xf32>
      %max3A_362 = arith.maximumf %squeeze3A_326, %squeeze3A_328 : vector<8x128xf32>
      %max3A_363 = arith.maximumf %squeeze3A_330, %squeeze3A_332 : vector<8x128xf32>
      %max3A_364 = arith.maximumf %squeeze3A_334, %squeeze3A_336 : vector<8x128xf32>
      %max3A_365 = arith.maximumf %squeeze3A_338, %squeeze3A_340 : vector<8x128xf32>
      %max3A_366 = arith.maximumf %squeeze3A_342, %squeeze3A_344 : vector<8x128xf32>
      %max3A_367 = arith.maximumf %squeeze3A_346, %squeeze3A_348 : vector<8x128xf32>
      %max3A_368 = arith.maximumf %squeeze3A_350, %squeeze3A_352 : vector<8x128xf32>
      %max3A_369 = arith.maximumf %squeeze3A_354, %squeeze3A_356 : vector<8x128xf32>
      %max3A_370 = arith.maximumf %squeeze3A_358, %squeeze3A_360 : vector<8x128xf32>
      %max3A_371 = arith.maximumf %max3A_361, %max3A_362 : vector<8x128xf32>
      %max3A_372 = arith.maximumf %max3A_363, %max3A_364 : vector<8x128xf32>
      %max3A_373 = arith.maximumf %max3A_365, %max3A_366 : vector<8x128xf32>
      %max3A_374 = arith.maximumf %max3A_367, %max3A_368 : vector<8x128xf32>
      %max3A_375 = arith.maximumf %max3A_369, %max3A_370 : vector<8x128xf32>
      %max3A_376 = arith.maximumf %max3A_371, %max3A_372 : vector<8x128xf32>
      %max3A_377 = arith.maximumf %max3A_373, %max3A_374 : vector<8x128xf32>
      %max3A_378 = arith.maximumf %max3A_376, %max3A_377 : vector<8x128xf32>
      %max3A_379 = arith.maximumf %max3A_378, %max3A_375 : vector<8x128xf32>
      %roll3A = arith.constant 4 : i32
      %roll3A_380 = tpu.dynamic_rotate %max3A_379 by %roll3A dim 0 : vector<8x128xf32>, i32 -> vector<8x128xf32>
      %max3A_381 = arith.maximumf %max3A_379, %roll3A_380 : vector<8x128xf32>
      %reduce_max3A = arith.constant dense<0xFF800000> : vector<8xf32>
      %reduce_max3A_382 = vector.multi_reduction <maximumf>, %max3A_381, %reduce_max3A [1] : vector<8x128xf32> to vector<8xf32>
      %broadcast_in_dim3A_383 = vector.shape_cast %reduce_max3A_382 : vector<8xf32> to vector<8x1xf32>
      %broadcast_in_dim3A_384 = vector.shape_cast %broadcast_in_dim3A_383 : vector<8x1xf32> to vector<1x8x1xf32>
      %eq3A_385 = vector.broadcast %broadcast_in_dim3A_384 : vector<1x8x1xf32> to vector<20x8x128xf32>
      %eq3A_386 = arith.cmpf oeq, %select_n3A_320, %eq3A_385 : vector<20x8x128xf32>
      %jit3A_387 = arith.constant 1073741824 : i32
      %broadcast_in_dim3A_388 = vector.broadcast %jit3A_387 : i32 to vector<20x8x128xi32>
      %select_n3A_389 = arith.select %eq3A_386, %add3A_49, %broadcast_in_dim3A_388 : vector<20x8x128xi1>, vector<20x8x128xi32>
      %slice3A_390 = vector.extract_strided_slice %select_n3A_389 {offsets = [0, 0, 0], sizes = [1, 8, 128], strides = [1, 1, 1]} : vector<20x8x128xi32> to vector<1x8x128xi32>
      %squeeze3A_391 = vector.shape_cast %slice3A_390 : vector<1x8x128xi32> to vector<8x128xi32>
      %slice3A_392 = vector.extract_strided_slice %select_n3A_389 {offsets = [1, 0, 0], sizes = [1, 8, 128], strides = [1, 1, 1]} : vector<20x8x128xi32> to vector<1x8x128xi32>
      %squeeze3A_393 = vector.shape_cast %slice3A_392 : vector<1x8x128xi32> to vector<8x128xi32>
      %slice3A_394 = vector.extract_strided_slice %select_n3A_389 {offsets = [2, 0, 0], sizes = [1, 8, 128], strides = [1, 1, 1]} : vector<20x8x128xi32> to vector<1x8x128xi32>
      %squeeze3A_395 = vector.shape_cast %slice3A_394 : vector<1x8x128xi32> to vector<8x128xi32>
      %slice3A_396 = vector.extract_strided_slice %select_n3A_389 {offsets = [3, 0, 0], sizes = [1, 8, 128], strides = [1, 1, 1]} : vector<20x8x128xi32> to vector<1x8x128xi32>
      %squeeze3A_397 = vector.shape_cast %slice3A_396 : vector<1x8x128xi32> to vector<8x128xi32>
      %slice3A_398 = vector.extract_strided_slice %select_n3A_389 {offsets = [4, 0, 0], sizes = [1, 8, 128], strides = [1, 1, 1]} : vector<20x8x128xi32> to vector<1x8x128xi32>
      %squeeze3A_399 = vector.shape_cast %slice3A_398 : vector<1x8x128xi32> to vector<8x128xi32>
      %slice3A_400 = vector.extract_strided_slice %select_n3A_389 {offsets = [5, 0, 0], sizes = [1, 8, 128], strides = [1, 1, 1]} : vector<20x8x128xi32> to vector<1x8x128xi32>
      %squeeze3A_401 = vector.shape_cast %slice3A_400 : vector<1x8x128xi32> to vector<8x128xi32>
      %slice3A_402 = vector.extract_strided_slice %select_n3A_389 {offsets = [6, 0, 0], sizes = [1, 8, 128], strides = [1, 1, 1]} : vector<20x8x128xi32> to vector<1x8x128xi32>
      %squeeze3A_403 = vector.shape_cast %slice3A_402 : vector<1x8x128xi32> to vector<8x128xi32>
      %slice3A_404 = vector.extract_strided_slice %select_n3A_389 {offsets = [7, 0, 0], sizes = [1, 8, 128], strides = [1, 1, 1]} : vector<20x8x128xi32> to vector<1x8x128xi32>
      %squeeze3A_405 = vector.shape_cast %slice3A_404 : vector<1x8x128xi32> to vector<8x128xi32>
      %slice3A_406 = vector.extract_strided_slice %select_n3A_389 {offsets = [8, 0, 0], sizes = [1, 8, 128], strides = [1, 1, 1]} : vector<20x8x128xi32> to vector<1x8x128xi32>
      %squeeze3A_407 = vector.shape_cast %slice3A_406 : vector<1x8x128xi32> to vector<8x128xi32>
      %slice3A_408 = vector.extract_strided_slice %select_n3A_389 {offsets = [9, 0, 0], sizes = [1, 8, 128], strides = [1, 1, 1]} : vector<20x8x128xi32> to vector<1x8x128xi32>
      %squeeze3A_409 = vector.shape_cast %slice3A_408 : vector<1x8x128xi32> to vector<8x128xi32>
      %slice3A_410 = vector.extract_strided_slice %select_n3A_389 {offsets = [10, 0, 0], sizes = [1, 8, 128], strides = [1, 1, 1]} : vector<20x8x128xi32> to vector<1x8x128xi32>
      %squeeze3A_411 = vector.shape_cast %slice3A_410 : vector<1x8x128xi32> to vector<8x128xi32>
      %slice3A_412 = vector.extract_strided_slice %select_n3A_389 {offsets = [11, 0, 0], sizes = [1, 8, 128], strides = [1, 1, 1]} : vector<20x8x128xi32> to vector<1x8x128xi32>
      %squeeze3A_413 = vector.shape_cast %slice3A_412 : vector<1x8x128xi32> to vector<8x128xi32>
      %slice3A_414 = vector.extract_strided_slice %select_n3A_389 {offsets = [12, 0, 0], sizes = [1, 8, 128], strides = [1, 1, 1]} : vector<20x8x128xi32> to vector<1x8x128xi32>
      %squeeze3A_415 = vector.shape_cast %slice3A_414 : vector<1x8x128xi32> to vector<8x128xi32>
      %slice3A_416 = vector.extract_strided_slice %select_n3A_389 {offsets = [13, 0, 0], sizes = [1, 8, 128], strides = [1, 1, 1]} : vector<20x8x128xi32> to vector<1x8x128xi32>
      %squeeze3A_417 = vector.shape_cast %slice3A_416 : vector<1x8x128xi32> to vector<8x128xi32>
      %slice3A_418 = vector.extract_strided_slice %select_n3A_389 {offsets = [14, 0, 0], sizes = [1, 8, 128], strides = [1, 1, 1]} : vector<20x8x128xi32> to vector<1x8x128xi32>
      %squeeze3A_419 = vector.shape_cast %slice3A_418 : vector<1x8x128xi32> to vector<8x128xi32>
      %slice3A_420 = vector.extract_strided_slice %select_n3A_389 {offsets = [15, 0, 0], sizes = [1, 8, 128], strides = [1, 1, 1]} : vector<20x8x128xi32> to vector<1x8x128xi32>
      %squeeze3A_421 = vector.shape_cast %slice3A_420 : vector<1x8x128xi32> to vector<8x128xi32>
      %slice3A_422 = vector.extract_strided_slice %select_n3A_389 {offsets = [16, 0, 0], sizes = [1, 8, 128], strides = [1, 1, 1]} : vector<20x8x128xi32> to vector<1x8x128xi32>
      %squeeze3A_423 = vector.shape_cast %slice3A_422 : vector<1x8x128xi32> to vector<8x128xi32>
      %slice3A_424 = vector.extract_strided_slice %select_n3A_389 {offsets = [17, 0, 0], sizes = [1, 8, 128], strides = [1, 1, 1]} : vector<20x8x128xi32> to vector<1x8x128xi32>
      %squeeze3A_425 = vector.shape_cast %slice3A_424 : vector<1x8x128xi32> to vector<8x128xi32>
      %slice3A_426 = vector.extract_strided_slice %select_n3A_389 {offsets = [18, 0, 0], sizes = [1, 8, 128], strides = [1, 1, 1]} : vector<20x8x128xi32> to vector<1x8x128xi32>
      %squeeze3A_427 = vector.shape_cast %slice3A_426 : vector<1x8x128xi32> to vector<8x128xi32>
      %slice3A_428 = vector.extract_strided_slice %select_n3A_389 {offsets = [19, 0, 0], sizes = [1, 8, 128], strides = [1, 1, 1]} : vector<20x8x128xi32> to vector<1x8x128xi32>
      %squeeze3A_429 = vector.shape_cast %slice3A_428 : vector<1x8x128xi32> to vector<8x128xi32>
      %min3A = arith.minsi %squeeze3A_391, %squeeze3A_393 : vector<8x128xi32>
      %min3A_430 = arith.minsi %squeeze3A_395, %squeeze3A_397 : vector<8x128xi32>
      %min3A_431 = arith.minsi %squeeze3A_399, %squeeze3A_401 : vector<8x128xi32>
      %min3A_432 = arith.minsi %squeeze3A_403, %squeeze3A_405 : vector<8x128xi32>
      %min3A_433 = arith.minsi %squeeze3A_407, %squeeze3A_409 : vector<8x128xi32>
      %min3A_434 = arith.minsi %squeeze3A_411, %squeeze3A_413 : vector<8x128xi32>
      %min3A_435 = arith.minsi %squeeze3A_415, %squeeze3A_417 : vector<8x128xi32>
      %min3A_436 = arith.minsi %squeeze3A_419, %squeeze3A_421 : vector<8x128xi32>
      %min3A_437 = arith.minsi %squeeze3A_423, %squeeze3A_425 : vector<8x128xi32>
      %min3A_438 = arith.minsi %squeeze3A_427, %squeeze3A_429 : vector<8x128xi32>
      %min3A_439 = arith.minsi %min3A, %min3A_430 : vector<8x128xi32>
      %min3A_440 = arith.minsi %min3A_431, %min3A_432 : vector<8x128xi32>
      %min3A_441 = arith.minsi %min3A_433, %min3A_434 : vector<8x128xi32>
      %min3A_442 = arith.minsi %min3A_435, %min3A_436 : vector<8x128xi32>
      %min3A_443 = arith.minsi %min3A_437, %min3A_438 : vector<8x128xi32>
      %min3A_444 = arith.minsi %min3A_439, %min3A_440 : vector<8x128xi32>
      %min3A_445 = arith.minsi %min3A_441, %min3A_442 : vector<8x128xi32>
      %min3A_446 = arith.minsi %min3A_444, %min3A_445 : vector<8x128xi32>
      %min3A_447 = arith.minsi %min3A_446, %min3A_443 : vector<8x128xi32>
      %roll3A_448 = arith.constant 4 : i32
      %roll3A_449 = tpu.dynamic_rotate %min3A_447 by %roll3A_448 dim 0 : vector<8x128xi32>, i32 -> vector<8x128xi32>
      %min3A_450 = arith.minsi %min3A_447, %roll3A_449 : vector<8x128xi32>
      %reduce_min3A = arith.constant dense<2147483647> : vector<8xi32>
      %reduce_min3A_451 = vector.multi_reduction <minsi>, %min3A_450, %reduce_min3A [1] : vector<8x128xi32> to vector<8xi32>
      %broadcast_in_dim3A_452 = vector.shape_cast %reduce_min3A_451 : vector<8xi32> to vector<8x1xi32>
      %gt3A_453 = arith.constant 0xFF800000 : f32
      %gt3A_454 = vector.broadcast %gt3A_453 : f32 to vector<8x1xf32>
      %gt3A_455 = arith.cmpf ogt, %broadcast_in_dim3A_383, %gt3A_454 : vector<8x1xf32>
      %broadcast_in_dim3A_456 = vector.shape_cast %broadcast_in_dim3A_452 : vector<8x1xi32> to vector<1x8x1xi32>
      %eq3A_457 = vector.broadcast %broadcast_in_dim3A_456 : vector<1x8x1xi32> to vector<20x8x128xi32>
      %eq3A_458 = arith.cmpi eq, %add3A_49, %eq3A_457 : vector<20x8x128xi32>
      %slice3A_459 = vector.extract_strided_slice %eq3A_458 {offsets = [0, 0, 0], sizes = [1, 8, 128], strides = [1, 1, 1]} : vector<20x8x128xi1> to vector<1x8x128xi1>
      %squeeze3A_460 = vector.shape_cast %slice3A_459 : vector<1x8x128xi1> to vector<8x128xi1>
      %slice3A_461 = vector.extract_strided_slice %get3A_2 {offsets = [0, 0, 0], sizes = [1, 8, 128], strides = [1, 1, 1]} : vector<20x8x128xf32> to vector<1x8x128xf32>
      %squeeze3A_462 = vector.shape_cast %slice3A_461 : vector<1x8x128xf32> to vector<8x128xf32>
      %jit3A_463 = arith.constant 0xFF800000 : f32
      %broadcast_in_dim3A_464 = vector.broadcast %jit3A_463 : f32 to vector<8x128xf32>
      %select_n3A_465 = arith.select %squeeze3A_460, %squeeze3A_462, %broadcast_in_dim3A_464 : vector<8x128xi1>, vector<8x128xf32>
      %slice3A_466 = vector.extract_strided_slice %eq3A_458 {offsets = [1, 0, 0], sizes = [1, 8, 128], strides = [1, 1, 1]} : vector<20x8x128xi1> to vector<1x8x128xi1>
      %squeeze3A_467 = vector.shape_cast %slice3A_466 : vector<1x8x128xi1> to vector<8x128xi1>
      %slice3A_468 = vector.extract_strided_slice %get3A_2 {offsets = [1, 0, 0], sizes = [1, 8, 128], strides = [1, 1, 1]} : vector<20x8x128xf32> to vector<1x8x128xf32>
      %squeeze3A_469 = vector.shape_cast %slice3A_468 : vector<1x8x128xf32> to vector<8x128xf32>
      %jit3A_470 = arith.constant 0xFF800000 : f32
      %broadcast_in_dim3A_471 = vector.broadcast %jit3A_470 : f32 to vector<8x128xf32>
      %select_n3A_472 = arith.select %squeeze3A_467, %squeeze3A_469, %broadcast_in_dim3A_471 : vector<8x128xi1>, vector<8x128xf32>
      %slice3A_473 = vector.extract_strided_slice %eq3A_458 {offsets = [2, 0, 0], sizes = [1, 8, 128], strides = [1, 1, 1]} : vector<20x8x128xi1> to vector<1x8x128xi1>
      %squeeze3A_474 = vector.shape_cast %slice3A_473 : vector<1x8x128xi1> to vector<8x128xi1>
      %slice3A_475 = vector.extract_strided_slice %get3A_2 {offsets = [2, 0, 0], sizes = [1, 8, 128], strides = [1, 1, 1]} : vector<20x8x128xf32> to vector<1x8x128xf32>
      %squeeze3A_476 = vector.shape_cast %slice3A_475 : vector<1x8x128xf32> to vector<8x128xf32>
      %jit3A_477 = arith.constant 0xFF800000 : f32
      %broadcast_in_dim3A_478 = vector.broadcast %jit3A_477 : f32 to vector<8x128xf32>
      %select_n3A_479 = arith.select %squeeze3A_474, %squeeze3A_476, %broadcast_in_dim3A_478 : vector<8x128xi1>, vector<8x128xf32>
      %slice3A_480 = vector.extract_strided_slice %eq3A_458 {offsets = [3, 0, 0], sizes = [1, 8, 128], strides = [1, 1, 1]} : vector<20x8x128xi1> to vector<1x8x128xi1>
      %squeeze3A_481 = vector.shape_cast %slice3A_480 : vector<1x8x128xi1> to vector<8x128xi1>
      %slice3A_482 = vector.extract_strided_slice %get3A_2 {offsets = [3, 0, 0], sizes = [1, 8, 128], strides = [1, 1, 1]} : vector<20x8x128xf32> to vector<1x8x128xf32>
      %squeeze3A_483 = vector.shape_cast %slice3A_482 : vector<1x8x128xf32> to vector<8x128xf32>
      %jit3A_484 = arith.constant 0xFF800000 : f32
      %broadcast_in_dim3A_485 = vector.broadcast %jit3A_484 : f32 to vector<8x128xf32>
      %select_n3A_486 = arith.select %squeeze3A_481, %squeeze3A_483, %broadcast_in_dim3A_485 : vector<8x128xi1>, vector<8x128xf32>
      %slice3A_487 = vector.extract_strided_slice %eq3A_458 {offsets = [4, 0, 0], sizes = [1, 8, 128], strides = [1, 1, 1]} : vector<20x8x128xi1> to vector<1x8x128xi1>
      %squeeze3A_488 = vector.shape_cast %slice3A_487 : vector<1x8x128xi1> to vector<8x128xi1>
      %slice3A_489 = vector.extract_strided_slice %get3A_2 {offsets = [4, 0, 0], sizes = [1, 8, 128], strides = [1, 1, 1]} : vector<20x8x128xf32> to vector<1x8x128xf32>
      %squeeze3A_490 = vector.shape_cast %slice3A_489 : vector<1x8x128xf32> to vector<8x128xf32>
      %jit3A_491 = arith.constant 0xFF800000 : f32
      %broadcast_in_dim3A_492 = vector.broadcast %jit3A_491 : f32 to vector<8x128xf32>
      %select_n3A_493 = arith.select %squeeze3A_488, %squeeze3A_490, %broadcast_in_dim3A_492 : vector<8x128xi1>, vector<8x128xf32>
      %slice3A_494 = vector.extract_strided_slice %eq3A_458 {offsets = [5, 0, 0], sizes = [1, 8, 128], strides = [1, 1, 1]} : vector<20x8x128xi1> to vector<1x8x128xi1>
      %squeeze3A_495 = vector.shape_cast %slice3A_494 : vector<1x8x128xi1> to vector<8x128xi1>
      %slice3A_496 = vector.extract_strided_slice %get3A_2 {offsets = [5, 0, 0], sizes = [1, 8, 128], strides = [1, 1, 1]} : vector<20x8x128xf32> to vector<1x8x128xf32>
      %squeeze3A_497 = vector.shape_cast %slice3A_496 : vector<1x8x128xf32> to vector<8x128xf32>
      %jit3A_498 = arith.constant 0xFF800000 : f32
      %broadcast_in_dim3A_499 = vector.broadcast %jit3A_498 : f32 to vector<8x128xf32>
      %select_n3A_500 = arith.select %squeeze3A_495, %squeeze3A_497, %broadcast_in_dim3A_499 : vector<8x128xi1>, vector<8x128xf32>
      %slice3A_501 = vector.extract_strided_slice %eq3A_458 {offsets = [6, 0, 0], sizes = [1, 8, 128], strides = [1, 1, 1]} : vector<20x8x128xi1> to vector<1x8x128xi1>
      %squeeze3A_502 = vector.shape_cast %slice3A_501 : vector<1x8x128xi1> to vector<8x128xi1>
      %slice3A_503 = vector.extract_strided_slice %get3A_2 {offsets = [6, 0, 0], sizes = [1, 8, 128], strides = [1, 1, 1]} : vector<20x8x128xf32> to vector<1x8x128xf32>
      %squeeze3A_504 = vector.shape_cast %slice3A_503 : vector<1x8x128xf32> to vector<8x128xf32>
      %jit3A_505 = arith.constant 0xFF800000 : f32
      %broadcast_in_dim3A_506 = vector.broadcast %jit3A_505 : f32 to vector<8x128xf32>
      %select_n3A_507 = arith.select %squeeze3A_502, %squeeze3A_504, %broadcast_in_dim3A_506 : vector<8x128xi1>, vector<8x128xf32>
      %slice3A_508 = vector.extract_strided_slice %eq3A_458 {offsets = [7, 0, 0], sizes = [1, 8, 128], strides = [1, 1, 1]} : vector<20x8x128xi1> to vector<1x8x128xi1>
      %squeeze3A_509 = vector.shape_cast %slice3A_508 : vector<1x8x128xi1> to vector<8x128xi1>
      %slice3A_510 = vector.extract_strided_slice %get3A_2 {offsets = [7, 0, 0], sizes = [1, 8, 128], strides = [1, 1, 1]} : vector<20x8x128xf32> to vector<1x8x128xf32>
      %squeeze3A_511 = vector.shape_cast %slice3A_510 : vector<1x8x128xf32> to vector<8x128xf32>
      %jit3A_512 = arith.constant 0xFF800000 : f32
      %broadcast_in_dim3A_513 = vector.broadcast %jit3A_512 : f32 to vector<8x128xf32>
      %select_n3A_514 = arith.select %squeeze3A_509, %squeeze3A_511, %broadcast_in_dim3A_513 : vector<8x128xi1>, vector<8x128xf32>
      %slice3A_515 = vector.extract_strided_slice %eq3A_458 {offsets = [8, 0, 0], sizes = [1, 8, 128], strides = [1, 1, 1]} : vector<20x8x128xi1> to vector<1x8x128xi1>
      %squeeze3A_516 = vector.shape_cast %slice3A_515 : vector<1x8x128xi1> to vector<8x128xi1>
      %slice3A_517 = vector.extract_strided_slice %get3A_2 {offsets = [8, 0, 0], sizes = [1, 8, 128], strides = [1, 1, 1]} : vector<20x8x128xf32> to vector<1x8x128xf32>
      %squeeze3A_518 = vector.shape_cast %slice3A_517 : vector<1x8x128xf32> to vector<8x128xf32>
      %jit3A_519 = arith.constant 0xFF800000 : f32
      %broadcast_in_dim3A_520 = vector.broadcast %jit3A_519 : f32 to vector<8x128xf32>
      %select_n3A_521 = arith.select %squeeze3A_516, %squeeze3A_518, %broadcast_in_dim3A_520 : vector<8x128xi1>, vector<8x128xf32>
      %slice3A_522 = vector.extract_strided_slice %eq3A_458 {offsets = [9, 0, 0], sizes = [1, 8, 128], strides = [1, 1, 1]} : vector<20x8x128xi1> to vector<1x8x128xi1>
      %squeeze3A_523 = vector.shape_cast %slice3A_522 : vector<1x8x128xi1> to vector<8x128xi1>
      %slice3A_524 = vector.extract_strided_slice %get3A_2 {offsets = [9, 0, 0], sizes = [1, 8, 128], strides = [1, 1, 1]} : vector<20x8x128xf32> to vector<1x8x128xf32>
      %squeeze3A_525 = vector.shape_cast %slice3A_524 : vector<1x8x128xf32> to vector<8x128xf32>
      %jit3A_526 = arith.constant 0xFF800000 : f32
      %broadcast_in_dim3A_527 = vector.broadcast %jit3A_526 : f32 to vector<8x128xf32>
      %select_n3A_528 = arith.select %squeeze3A_523, %squeeze3A_525, %broadcast_in_dim3A_527 : vector<8x128xi1>, vector<8x128xf32>
      %slice3A_529 = vector.extract_strided_slice %eq3A_458 {offsets = [10, 0, 0], sizes = [1, 8, 128], strides = [1, 1, 1]} : vector<20x8x128xi1> to vector<1x8x128xi1>
      %squeeze3A_530 = vector.shape_cast %slice3A_529 : vector<1x8x128xi1> to vector<8x128xi1>
      %slice3A_531 = vector.extract_strided_slice %get3A_2 {offsets = [10, 0, 0], sizes = [1, 8, 128], strides = [1, 1, 1]} : vector<20x8x128xf32> to vector<1x8x128xf32>
      %squeeze3A_532 = vector.shape_cast %slice3A_531 : vector<1x8x128xf32> to vector<8x128xf32>
      %jit3A_533 = arith.constant 0xFF800000 : f32
      %broadcast_in_dim3A_534 = vector.broadcast %jit3A_533 : f32 to vector<8x128xf32>
      %select_n3A_535 = arith.select %squeeze3A_530, %squeeze3A_532, %broadcast_in_dim3A_534 : vector<8x128xi1>, vector<8x128xf32>
      %slice3A_536 = vector.extract_strided_slice %eq3A_458 {offsets = [11, 0, 0], sizes = [1, 8, 128], strides = [1, 1, 1]} : vector<20x8x128xi1> to vector<1x8x128xi1>
      %squeeze3A_537 = vector.shape_cast %slice3A_536 : vector<1x8x128xi1> to vector<8x128xi1>
      %slice3A_538 = vector.extract_strided_slice %get3A_2 {offsets = [11, 0, 0], sizes = [1, 8, 128], strides = [1, 1, 1]} : vector<20x8x128xf32> to vector<1x8x128xf32>
      %squeeze3A_539 = vector.shape_cast %slice3A_538 : vector<1x8x128xf32> to vector<8x128xf32>
      %jit3A_540 = arith.constant 0xFF800000 : f32
      %broadcast_in_dim3A_541 = vector.broadcast %jit3A_540 : f32 to vector<8x128xf32>
      %select_n3A_542 = arith.select %squeeze3A_537, %squeeze3A_539, %broadcast_in_dim3A_541 : vector<8x128xi1>, vector<8x128xf32>
      %slice3A_543 = vector.extract_strided_slice %eq3A_458 {offsets = [12, 0, 0], sizes = [1, 8, 128], strides = [1, 1, 1]} : vector<20x8x128xi1> to vector<1x8x128xi1>
      %squeeze3A_544 = vector.shape_cast %slice3A_543 : vector<1x8x128xi1> to vector<8x128xi1>
      %slice3A_545 = vector.extract_strided_slice %get3A_2 {offsets = [12, 0, 0], sizes = [1, 8, 128], strides = [1, 1, 1]} : vector<20x8x128xf32> to vector<1x8x128xf32>
      %squeeze3A_546 = vector.shape_cast %slice3A_545 : vector<1x8x128xf32> to vector<8x128xf32>
      %jit3A_547 = arith.constant 0xFF800000 : f32
      %broadcast_in_dim3A_548 = vector.broadcast %jit3A_547 : f32 to vector<8x128xf32>
      %select_n3A_549 = arith.select %squeeze3A_544, %squeeze3A_546, %broadcast_in_dim3A_548 : vector<8x128xi1>, vector<8x128xf32>
      %slice3A_550 = vector.extract_strided_slice %eq3A_458 {offsets = [13, 0, 0], sizes = [1, 8, 128], strides = [1, 1, 1]} : vector<20x8x128xi1> to vector<1x8x128xi1>
      %squeeze3A_551 = vector.shape_cast %slice3A_550 : vector<1x8x128xi1> to vector<8x128xi1>
      %slice3A_552 = vector.extract_strided_slice %get3A_2 {offsets = [13, 0, 0], sizes = [1, 8, 128], strides = [1, 1, 1]} : vector<20x8x128xf32> to vector<1x8x128xf32>
      %squeeze3A_553 = vector.shape_cast %slice3A_552 : vector<1x8x128xf32> to vector<8x128xf32>
      %jit3A_554 = arith.constant 0xFF800000 : f32
      %broadcast_in_dim3A_555 = vector.broadcast %jit3A_554 : f32 to vector<8x128xf32>
      %select_n3A_556 = arith.select %squeeze3A_551, %squeeze3A_553, %broadcast_in_dim3A_555 : vector<8x128xi1>, vector<8x128xf32>
      %slice3A_557 = vector.extract_strided_slice %eq3A_458 {offsets = [14, 0, 0], sizes = [1, 8, 128], strides = [1, 1, 1]} : vector<20x8x128xi1> to vector<1x8x128xi1>
      %squeeze3A_558 = vector.shape_cast %slice3A_557 : vector<1x8x128xi1> to vector<8x128xi1>
      %slice3A_559 = vector.extract_strided_slice %get3A_2 {offsets = [14, 0, 0], sizes = [1, 8, 128], strides = [1, 1, 1]} : vector<20x8x128xf32> to vector<1x8x128xf32>
      %squeeze3A_560 = vector.shape_cast %slice3A_559 : vector<1x8x128xf32> to vector<8x128xf32>
      %jit3A_561 = arith.constant 0xFF800000 : f32
      %broadcast_in_dim3A_562 = vector.broadcast %jit3A_561 : f32 to vector<8x128xf32>
      %select_n3A_563 = arith.select %squeeze3A_558, %squeeze3A_560, %broadcast_in_dim3A_562 : vector<8x128xi1>, vector<8x128xf32>
      %slice3A_564 = vector.extract_strided_slice %eq3A_458 {offsets = [15, 0, 0], sizes = [1, 8, 128], strides = [1, 1, 1]} : vector<20x8x128xi1> to vector<1x8x128xi1>
      %squeeze3A_565 = vector.shape_cast %slice3A_564 : vector<1x8x128xi1> to vector<8x128xi1>
      %slice3A_566 = vector.extract_strided_slice %get3A_2 {offsets = [15, 0, 0], sizes = [1, 8, 128], strides = [1, 1, 1]} : vector<20x8x128xf32> to vector<1x8x128xf32>
      %squeeze3A_567 = vector.shape_cast %slice3A_566 : vector<1x8x128xf32> to vector<8x128xf32>
      %jit3A_568 = arith.constant 0xFF800000 : f32
      %broadcast_in_dim3A_569 = vector.broadcast %jit3A_568 : f32 to vector<8x128xf32>
      %select_n3A_570 = arith.select %squeeze3A_565, %squeeze3A_567, %broadcast_in_dim3A_569 : vector<8x128xi1>, vector<8x128xf32>
      %slice3A_571 = vector.extract_strided_slice %eq3A_458 {offsets = [16, 0, 0], sizes = [1, 8, 128], strides = [1, 1, 1]} : vector<20x8x128xi1> to vector<1x8x128xi1>
      %squeeze3A_572 = vector.shape_cast %slice3A_571 : vector<1x8x128xi1> to vector<8x128xi1>
      %slice3A_573 = vector.extract_strided_slice %get3A_2 {offsets = [16, 0, 0], sizes = [1, 8, 128], strides = [1, 1, 1]} : vector<20x8x128xf32> to vector<1x8x128xf32>
      %squeeze3A_574 = vector.shape_cast %slice3A_573 : vector<1x8x128xf32> to vector<8x128xf32>
      %jit3A_575 = arith.constant 0xFF800000 : f32
      %broadcast_in_dim3A_576 = vector.broadcast %jit3A_575 : f32 to vector<8x128xf32>
      %select_n3A_577 = arith.select %squeeze3A_572, %squeeze3A_574, %broadcast_in_dim3A_576 : vector<8x128xi1>, vector<8x128xf32>
      %slice3A_578 = vector.extract_strided_slice %eq3A_458 {offsets = [17, 0, 0], sizes = [1, 8, 128], strides = [1, 1, 1]} : vector<20x8x128xi1> to vector<1x8x128xi1>
      %squeeze3A_579 = vector.shape_cast %slice3A_578 : vector<1x8x128xi1> to vector<8x128xi1>
      %slice3A_580 = vector.extract_strided_slice %get3A_2 {offsets = [17, 0, 0], sizes = [1, 8, 128], strides = [1, 1, 1]} : vector<20x8x128xf32> to vector<1x8x128xf32>
      %squeeze3A_581 = vector.shape_cast %slice3A_580 : vector<1x8x128xf32> to vector<8x128xf32>
      %jit3A_582 = arith.constant 0xFF800000 : f32
      %broadcast_in_dim3A_583 = vector.broadcast %jit3A_582 : f32 to vector<8x128xf32>
      %select_n3A_584 = arith.select %squeeze3A_579, %squeeze3A_581, %broadcast_in_dim3A_583 : vector<8x128xi1>, vector<8x128xf32>
      %slice3A_585 = vector.extract_strided_slice %eq3A_458 {offsets = [18, 0, 0], sizes = [1, 8, 128], strides = [1, 1, 1]} : vector<20x8x128xi1> to vector<1x8x128xi1>
      %squeeze3A_586 = vector.shape_cast %slice3A_585 : vector<1x8x128xi1> to vector<8x128xi1>
      %slice3A_587 = vector.extract_strided_slice %get3A_2 {offsets = [18, 0, 0], sizes = [1, 8, 128], strides = [1, 1, 1]} : vector<20x8x128xf32> to vector<1x8x128xf32>
      %squeeze3A_588 = vector.shape_cast %slice3A_587 : vector<1x8x128xf32> to vector<8x128xf32>
      %jit3A_589 = arith.constant 0xFF800000 : f32
      %broadcast_in_dim3A_590 = vector.broadcast %jit3A_589 : f32 to vector<8x128xf32>
      %select_n3A_591 = arith.select %squeeze3A_586, %squeeze3A_588, %broadcast_in_dim3A_590 : vector<8x128xi1>, vector<8x128xf32>
      %slice3A_592 = vector.extract_strided_slice %eq3A_458 {offsets = [19, 0, 0], sizes = [1, 8, 128], strides = [1, 1, 1]} : vector<20x8x128xi1> to vector<1x8x128xi1>
      %squeeze3A_593 = vector.shape_cast %slice3A_592 : vector<1x8x128xi1> to vector<8x128xi1>
      %slice3A_594 = vector.extract_strided_slice %get3A_2 {offsets = [19, 0, 0], sizes = [1, 8, 128], strides = [1, 1, 1]} : vector<20x8x128xf32> to vector<1x8x128xf32>
      %squeeze3A_595 = vector.shape_cast %slice3A_594 : vector<1x8x128xf32> to vector<8x128xf32>
      %jit3A_596 = arith.constant 0xFF800000 : f32
      %broadcast_in_dim3A_597 = vector.broadcast %jit3A_596 : f32 to vector<8x128xf32>
      %select_n3A_598 = arith.select %squeeze3A_593, %squeeze3A_595, %broadcast_in_dim3A_597 : vector<8x128xi1>, vector<8x128xf32>
      %max3A_599 = arith.maximumf %select_n3A_465, %select_n3A_472 : vector<8x128xf32>
      %max3A_600 = arith.maximumf %select_n3A_479, %select_n3A_486 : vector<8x128xf32>
      %max3A_601 = arith.maximumf %select_n3A_493, %select_n3A_500 : vector<8x128xf32>
      %max3A_602 = arith.maximumf %select_n3A_507, %select_n3A_514 : vector<8x128xf32>
      %max3A_603 = arith.maximumf %select_n3A_521, %select_n3A_528 : vector<8x128xf32>
      %max3A_604 = arith.maximumf %select_n3A_535, %select_n3A_542 : vector<8x128xf32>
      %max3A_605 = arith.maximumf %select_n3A_549, %select_n3A_556 : vector<8x128xf32>
      %max3A_606 = arith.maximumf %select_n3A_563, %select_n3A_570 : vector<8x128xf32>
      %max3A_607 = arith.maximumf %select_n3A_577, %select_n3A_584 : vector<8x128xf32>
      %max3A_608 = arith.maximumf %select_n3A_591, %select_n3A_598 : vector<8x128xf32>
      %max3A_609 = arith.maximumf %max3A_599, %max3A_600 : vector<8x128xf32>
      %max3A_610 = arith.maximumf %max3A_601, %max3A_602 : vector<8x128xf32>
      %max3A_611 = arith.maximumf %max3A_603, %max3A_604 : vector<8x128xf32>
      %max3A_612 = arith.maximumf %max3A_605, %max3A_606 : vector<8x128xf32>
      %max3A_613 = arith.maximumf %max3A_607, %max3A_608 : vector<8x128xf32>
      %max3A_614 = arith.maximumf %max3A_609, %max3A_610 : vector<8x128xf32>
      %max3A_615 = arith.maximumf %max3A_611, %max3A_612 : vector<8x128xf32>
      %max3A_616 = arith.maximumf %max3A_614, %max3A_615 : vector<8x128xf32>
      %max3A_617 = arith.maximumf %max3A_616, %max3A_613 : vector<8x128xf32>
      %roll3A_618 = arith.constant 4 : i32
      %roll3A_619 = tpu.dynamic_rotate %max3A_617 by %roll3A_618 dim 0 : vector<8x128xf32>, i32 -> vector<8x128xf32>
      %max3A_620 = arith.maximumf %max3A_617, %roll3A_619 : vector<8x128xf32>
      %reduce_max3A_621 = arith.constant dense<0xFF800000> : vector<8xf32>
      %reduce_max3A_622 = vector.multi_reduction <maximumf>, %max3A_620, %reduce_max3A_621 [1] : vector<8x128xf32> to vector<8xf32>
      %broadcast_in_dim3A_623 = vector.shape_cast %reduce_max3A_622 : vector<8xf32> to vector<8x1xf32>
      %slice3A_624 = vector.extract_strided_slice %eq3A_458 {offsets = [0, 0, 0], sizes = [1, 8, 128], strides = [1, 1, 1]} : vector<20x8x128xi1> to vector<1x8x128xi1>
      %squeeze3A_625 = vector.shape_cast %slice3A_624 : vector<1x8x128xi1> to vector<8x128xi1>
      %slice3A_626 = vector.extract_strided_slice %get3A_6 {offsets = [0, 0, 0], sizes = [1, 8, 128], strides = [1, 1, 1]} : vector<20x8x128xf32> to vector<1x8x128xf32>
      %squeeze3A_627 = vector.shape_cast %slice3A_626 : vector<1x8x128xf32> to vector<8x128xf32>
      %jit3A_628 = arith.constant 0xFF800000 : f32
      %broadcast_in_dim3A_629 = vector.broadcast %jit3A_628 : f32 to vector<8x128xf32>
      %select_n3A_630 = arith.select %squeeze3A_625, %squeeze3A_627, %broadcast_in_dim3A_629 : vector<8x128xi1>, vector<8x128xf32>
      %slice3A_631 = vector.extract_strided_slice %eq3A_458 {offsets = [1, 0, 0], sizes = [1, 8, 128], strides = [1, 1, 1]} : vector<20x8x128xi1> to vector<1x8x128xi1>
      %squeeze3A_632 = vector.shape_cast %slice3A_631 : vector<1x8x128xi1> to vector<8x128xi1>
      %slice3A_633 = vector.extract_strided_slice %get3A_6 {offsets = [1, 0, 0], sizes = [1, 8, 128], strides = [1, 1, 1]} : vector<20x8x128xf32> to vector<1x8x128xf32>
      %squeeze3A_634 = vector.shape_cast %slice3A_633 : vector<1x8x128xf32> to vector<8x128xf32>
      %jit3A_635 = arith.constant 0xFF800000 : f32
      %broadcast_in_dim3A_636 = vector.broadcast %jit3A_635 : f32 to vector<8x128xf32>
      %select_n3A_637 = arith.select %squeeze3A_632, %squeeze3A_634, %broadcast_in_dim3A_636 : vector<8x128xi1>, vector<8x128xf32>
      %slice3A_638 = vector.extract_strided_slice %eq3A_458 {offsets = [2, 0, 0], sizes = [1, 8, 128], strides = [1, 1, 1]} : vector<20x8x128xi1> to vector<1x8x128xi1>
      %squeeze3A_639 = vector.shape_cast %slice3A_638 : vector<1x8x128xi1> to vector<8x128xi1>
      %slice3A_640 = vector.extract_strided_slice %get3A_6 {offsets = [2, 0, 0], sizes = [1, 8, 128], strides = [1, 1, 1]} : vector<20x8x128xf32> to vector<1x8x128xf32>
      %squeeze3A_641 = vector.shape_cast %slice3A_640 : vector<1x8x128xf32> to vector<8x128xf32>
      %jit3A_642 = arith.constant 0xFF800000 : f32
      %broadcast_in_dim3A_643 = vector.broadcast %jit3A_642 : f32 to vector<8x128xf32>
      %select_n3A_644 = arith.select %squeeze3A_639, %squeeze3A_641, %broadcast_in_dim3A_643 : vector<8x128xi1>, vector<8x128xf32>
      %slice3A_645 = vector.extract_strided_slice %eq3A_458 {offsets = [3, 0, 0], sizes = [1, 8, 128], strides = [1, 1, 1]} : vector<20x8x128xi1> to vector<1x8x128xi1>
      %squeeze3A_646 = vector.shape_cast %slice3A_645 : vector<1x8x128xi1> to vector<8x128xi1>
      %slice3A_647 = vector.extract_strided_slice %get3A_6 {offsets = [3, 0, 0], sizes = [1, 8, 128], strides = [1, 1, 1]} : vector<20x8x128xf32> to vector<1x8x128xf32>
      %squeeze3A_648 = vector.shape_cast %slice3A_647 : vector<1x8x128xf32> to vector<8x128xf32>
      %jit3A_649 = arith.constant 0xFF800000 : f32
      %broadcast_in_dim3A_650 = vector.broadcast %jit3A_649 : f32 to vector<8x128xf32>
      %select_n3A_651 = arith.select %squeeze3A_646, %squeeze3A_648, %broadcast_in_dim3A_650 : vector<8x128xi1>, vector<8x128xf32>
      %slice3A_652 = vector.extract_strided_slice %eq3A_458 {offsets = [4, 0, 0], sizes = [1, 8, 128], strides = [1, 1, 1]} : vector<20x8x128xi1> to vector<1x8x128xi1>
      %squeeze3A_653 = vector.shape_cast %slice3A_652 : vector<1x8x128xi1> to vector<8x128xi1>
      %slice3A_654 = vector.extract_strided_slice %get3A_6 {offsets = [4, 0, 0], sizes = [1, 8, 128], strides = [1, 1, 1]} : vector<20x8x128xf32> to vector<1x8x128xf32>
      %squeeze3A_655 = vector.shape_cast %slice3A_654 : vector<1x8x128xf32> to vector<8x128xf32>
      %jit3A_656 = arith.constant 0xFF800000 : f32
      %broadcast_in_dim3A_657 = vector.broadcast %jit3A_656 : f32 to vector<8x128xf32>
      %select_n3A_658 = arith.select %squeeze3A_653, %squeeze3A_655, %broadcast_in_dim3A_657 : vector<8x128xi1>, vector<8x128xf32>
      %slice3A_659 = vector.extract_strided_slice %eq3A_458 {offsets = [5, 0, 0], sizes = [1, 8, 128], strides = [1, 1, 1]} : vector<20x8x128xi1> to vector<1x8x128xi1>
      %squeeze3A_660 = vector.shape_cast %slice3A_659 : vector<1x8x128xi1> to vector<8x128xi1>
      %slice3A_661 = vector.extract_strided_slice %get3A_6 {offsets = [5, 0, 0], sizes = [1, 8, 128], strides = [1, 1, 1]} : vector<20x8x128xf32> to vector<1x8x128xf32>
      %squeeze3A_662 = vector.shape_cast %slice3A_661 : vector<1x8x128xf32> to vector<8x128xf32>
      %jit3A_663 = arith.constant 0xFF800000 : f32
      %broadcast_in_dim3A_664 = vector.broadcast %jit3A_663 : f32 to vector<8x128xf32>
      %select_n3A_665 = arith.select %squeeze3A_660, %squeeze3A_662, %broadcast_in_dim3A_664 : vector<8x128xi1>, vector<8x128xf32>
      %slice3A_666 = vector.extract_strided_slice %eq3A_458 {offsets = [6, 0, 0], sizes = [1, 8, 128], strides = [1, 1, 1]} : vector<20x8x128xi1> to vector<1x8x128xi1>
      %squeeze3A_667 = vector.shape_cast %slice3A_666 : vector<1x8x128xi1> to vector<8x128xi1>
      %slice3A_668 = vector.extract_strided_slice %get3A_6 {offsets = [6, 0, 0], sizes = [1, 8, 128], strides = [1, 1, 1]} : vector<20x8x128xf32> to vector<1x8x128xf32>
      %squeeze3A_669 = vector.shape_cast %slice3A_668 : vector<1x8x128xf32> to vector<8x128xf32>
      %jit3A_670 = arith.constant 0xFF800000 : f32
      %broadcast_in_dim3A_671 = vector.broadcast %jit3A_670 : f32 to vector<8x128xf32>
      %select_n3A_672 = arith.select %squeeze3A_667, %squeeze3A_669, %broadcast_in_dim3A_671 : vector<8x128xi1>, vector<8x128xf32>
      %slice3A_673 = vector.extract_strided_slice %eq3A_458 {offsets = [7, 0, 0], sizes = [1, 8, 128], strides = [1, 1, 1]} : vector<20x8x128xi1> to vector<1x8x128xi1>
      %squeeze3A_674 = vector.shape_cast %slice3A_673 : vector<1x8x128xi1> to vector<8x128xi1>
      %slice3A_675 = vector.extract_strided_slice %get3A_6 {offsets = [7, 0, 0], sizes = [1, 8, 128], strides = [1, 1, 1]} : vector<20x8x128xf32> to vector<1x8x128xf32>
      %squeeze3A_676 = vector.shape_cast %slice3A_675 : vector<1x8x128xf32> to vector<8x128xf32>
      %jit3A_677 = arith.constant 0xFF800000 : f32
      %broadcast_in_dim3A_678 = vector.broadcast %jit3A_677 : f32 to vector<8x128xf32>
      %select_n3A_679 = arith.select %squeeze3A_674, %squeeze3A_676, %broadcast_in_dim3A_678 : vector<8x128xi1>, vector<8x128xf32>
      %slice3A_680 = vector.extract_strided_slice %eq3A_458 {offsets = [8, 0, 0], sizes = [1, 8, 128], strides = [1, 1, 1]} : vector<20x8x128xi1> to vector<1x8x128xi1>
      %squeeze3A_681 = vector.shape_cast %slice3A_680 : vector<1x8x128xi1> to vector<8x128xi1>
      %slice3A_682 = vector.extract_strided_slice %get3A_6 {offsets = [8, 0, 0], sizes = [1, 8, 128], strides = [1, 1, 1]} : vector<20x8x128xf32> to vector<1x8x128xf32>
      %squeeze3A_683 = vector.shape_cast %slice3A_682 : vector<1x8x128xf32> to vector<8x128xf32>
      %jit3A_684 = arith.constant 0xFF800000 : f32
      %broadcast_in_dim3A_685 = vector.broadcast %jit3A_684 : f32 to vector<8x128xf32>
      %select_n3A_686 = arith.select %squeeze3A_681, %squeeze3A_683, %broadcast_in_dim3A_685 : vector<8x128xi1>, vector<8x128xf32>
      %slice3A_687 = vector.extract_strided_slice %eq3A_458 {offsets = [9, 0, 0], sizes = [1, 8, 128], strides = [1, 1, 1]} : vector<20x8x128xi1> to vector<1x8x128xi1>
      %squeeze3A_688 = vector.shape_cast %slice3A_687 : vector<1x8x128xi1> to vector<8x128xi1>
      %slice3A_689 = vector.extract_strided_slice %get3A_6 {offsets = [9, 0, 0], sizes = [1, 8, 128], strides = [1, 1, 1]} : vector<20x8x128xf32> to vector<1x8x128xf32>
      %squeeze3A_690 = vector.shape_cast %slice3A_689 : vector<1x8x128xf32> to vector<8x128xf32>
      %jit3A_691 = arith.constant 0xFF800000 : f32
      %broadcast_in_dim3A_692 = vector.broadcast %jit3A_691 : f32 to vector<8x128xf32>
      %select_n3A_693 = arith.select %squeeze3A_688, %squeeze3A_690, %broadcast_in_dim3A_692 : vector<8x128xi1>, vector<8x128xf32>
      %slice3A_694 = vector.extract_strided_slice %eq3A_458 {offsets = [10, 0, 0], sizes = [1, 8, 128], strides = [1, 1, 1]} : vector<20x8x128xi1> to vector<1x8x128xi1>
      %squeeze3A_695 = vector.shape_cast %slice3A_694 : vector<1x8x128xi1> to vector<8x128xi1>
      %slice3A_696 = vector.extract_strided_slice %get3A_6 {offsets = [10, 0, 0], sizes = [1, 8, 128], strides = [1, 1, 1]} : vector<20x8x128xf32> to vector<1x8x128xf32>
      %squeeze3A_697 = vector.shape_cast %slice3A_696 : vector<1x8x128xf32> to vector<8x128xf32>
      %jit3A_698 = arith.constant 0xFF800000 : f32
      %broadcast_in_dim3A_699 = vector.broadcast %jit3A_698 : f32 to vector<8x128xf32>
      %select_n3A_700 = arith.select %squeeze3A_695, %squeeze3A_697, %broadcast_in_dim3A_699 : vector<8x128xi1>, vector<8x128xf32>
      %slice3A_701 = vector.extract_strided_slice %eq3A_458 {offsets = [11, 0, 0], sizes = [1, 8, 128], strides = [1, 1, 1]} : vector<20x8x128xi1> to vector<1x8x128xi1>
      %squeeze3A_702 = vector.shape_cast %slice3A_701 : vector<1x8x128xi1> to vector<8x128xi1>
      %slice3A_703 = vector.extract_strided_slice %get3A_6 {offsets = [11, 0, 0], sizes = [1, 8, 128], strides = [1, 1, 1]} : vector<20x8x128xf32> to vector<1x8x128xf32>
      %squeeze3A_704 = vector.shape_cast %slice3A_703 : vector<1x8x128xf32> to vector<8x128xf32>
      %jit3A_705 = arith.constant 0xFF800000 : f32
      %broadcast_in_dim3A_706 = vector.broadcast %jit3A_705 : f32 to vector<8x128xf32>
      %select_n3A_707 = arith.select %squeeze3A_702, %squeeze3A_704, %broadcast_in_dim3A_706 : vector<8x128xi1>, vector<8x128xf32>
      %slice3A_708 = vector.extract_strided_slice %eq3A_458 {offsets = [12, 0, 0], sizes = [1, 8, 128], strides = [1, 1, 1]} : vector<20x8x128xi1> to vector<1x8x128xi1>
      %squeeze3A_709 = vector.shape_cast %slice3A_708 : vector<1x8x128xi1> to vector<8x128xi1>
      %slice3A_710 = vector.extract_strided_slice %get3A_6 {offsets = [12, 0, 0], sizes = [1, 8, 128], strides = [1, 1, 1]} : vector<20x8x128xf32> to vector<1x8x128xf32>
      %squeeze3A_711 = vector.shape_cast %slice3A_710 : vector<1x8x128xf32> to vector<8x128xf32>
      %jit3A_712 = arith.constant 0xFF800000 : f32
      %broadcast_in_dim3A_713 = vector.broadcast %jit3A_712 : f32 to vector<8x128xf32>
      %select_n3A_714 = arith.select %squeeze3A_709, %squeeze3A_711, %broadcast_in_dim3A_713 : vector<8x128xi1>, vector<8x128xf32>
      %slice3A_715 = vector.extract_strided_slice %eq3A_458 {offsets = [13, 0, 0], sizes = [1, 8, 128], strides = [1, 1, 1]} : vector<20x8x128xi1> to vector<1x8x128xi1>
      %squeeze3A_716 = vector.shape_cast %slice3A_715 : vector<1x8x128xi1> to vector<8x128xi1>
      %slice3A_717 = vector.extract_strided_slice %get3A_6 {offsets = [13, 0, 0], sizes = [1, 8, 128], strides = [1, 1, 1]} : vector<20x8x128xf32> to vector<1x8x128xf32>
      %squeeze3A_718 = vector.shape_cast %slice3A_717 : vector<1x8x128xf32> to vector<8x128xf32>
      %jit3A_719 = arith.constant 0xFF800000 : f32
      %broadcast_in_dim3A_720 = vector.broadcast %jit3A_719 : f32 to vector<8x128xf32>
      %select_n3A_721 = arith.select %squeeze3A_716, %squeeze3A_718, %broadcast_in_dim3A_720 : vector<8x128xi1>, vector<8x128xf32>
      %slice3A_722 = vector.extract_strided_slice %eq3A_458 {offsets = [14, 0, 0], sizes = [1, 8, 128], strides = [1, 1, 1]} : vector<20x8x128xi1> to vector<1x8x128xi1>
      %squeeze3A_723 = vector.shape_cast %slice3A_722 : vector<1x8x128xi1> to vector<8x128xi1>
      %slice3A_724 = vector.extract_strided_slice %get3A_6 {offsets = [14, 0, 0], sizes = [1, 8, 128], strides = [1, 1, 1]} : vector<20x8x128xf32> to vector<1x8x128xf32>
      %squeeze3A_725 = vector.shape_cast %slice3A_724 : vector<1x8x128xf32> to vector<8x128xf32>
      %jit3A_726 = arith.constant 0xFF800000 : f32
      %broadcast_in_dim3A_727 = vector.broadcast %jit3A_726 : f32 to vector<8x128xf32>
      %select_n3A_728 = arith.select %squeeze3A_723, %squeeze3A_725, %broadcast_in_dim3A_727 : vector<8x128xi1>, vector<8x128xf32>
      %slice3A_729 = vector.extract_strided_slice %eq3A_458 {offsets = [15, 0, 0], sizes = [1, 8, 128], strides = [1, 1, 1]} : vector<20x8x128xi1> to vector<1x8x128xi1>
      %squeeze3A_730 = vector.shape_cast %slice3A_729 : vector<1x8x128xi1> to vector<8x128xi1>
      %slice3A_731 = vector.extract_strided_slice %get3A_6 {offsets = [15, 0, 0], sizes = [1, 8, 128], strides = [1, 1, 1]} : vector<20x8x128xf32> to vector<1x8x128xf32>
      %squeeze3A_732 = vector.shape_cast %slice3A_731 : vector<1x8x128xf32> to vector<8x128xf32>
      %jit3A_733 = arith.constant 0xFF800000 : f32
      %broadcast_in_dim3A_734 = vector.broadcast %jit3A_733 : f32 to vector<8x128xf32>
      %select_n3A_735 = arith.select %squeeze3A_730, %squeeze3A_732, %broadcast_in_dim3A_734 : vector<8x128xi1>, vector<8x128xf32>
      %slice3A_736 = vector.extract_strided_slice %eq3A_458 {offsets = [16, 0, 0], sizes = [1, 8, 128], strides = [1, 1, 1]} : vector<20x8x128xi1> to vector<1x8x128xi1>
      %squeeze3A_737 = vector.shape_cast %slice3A_736 : vector<1x8x128xi1> to vector<8x128xi1>
      %slice3A_738 = vector.extract_strided_slice %get3A_6 {offsets = [16, 0, 0], sizes = [1, 8, 128], strides = [1, 1, 1]} : vector<20x8x128xf32> to vector<1x8x128xf32>
      %squeeze3A_739 = vector.shape_cast %slice3A_738 : vector<1x8x128xf32> to vector<8x128xf32>
      %jit3A_740 = arith.constant 0xFF800000 : f32
      %broadcast_in_dim3A_741 = vector.broadcast %jit3A_740 : f32 to vector<8x128xf32>
      %select_n3A_742 = arith.select %squeeze3A_737, %squeeze3A_739, %broadcast_in_dim3A_741 : vector<8x128xi1>, vector<8x128xf32>
      %slice3A_743 = vector.extract_strided_slice %eq3A_458 {offsets = [17, 0, 0], sizes = [1, 8, 128], strides = [1, 1, 1]} : vector<20x8x128xi1> to vector<1x8x128xi1>
      %squeeze3A_744 = vector.shape_cast %slice3A_743 : vector<1x8x128xi1> to vector<8x128xi1>
      %slice3A_745 = vector.extract_strided_slice %get3A_6 {offsets = [17, 0, 0], sizes = [1, 8, 128], strides = [1, 1, 1]} : vector<20x8x128xf32> to vector<1x8x128xf32>
      %squeeze3A_746 = vector.shape_cast %slice3A_745 : vector<1x8x128xf32> to vector<8x128xf32>
      %jit3A_747 = arith.constant 0xFF800000 : f32
      %broadcast_in_dim3A_748 = vector.broadcast %jit3A_747 : f32 to vector<8x128xf32>
      %select_n3A_749 = arith.select %squeeze3A_744, %squeeze3A_746, %broadcast_in_dim3A_748 : vector<8x128xi1>, vector<8x128xf32>
      %slice3A_750 = vector.extract_strided_slice %eq3A_458 {offsets = [18, 0, 0], sizes = [1, 8, 128], strides = [1, 1, 1]} : vector<20x8x128xi1> to vector<1x8x128xi1>
      %squeeze3A_751 = vector.shape_cast %slice3A_750 : vector<1x8x128xi1> to vector<8x128xi1>
      %slice3A_752 = vector.extract_strided_slice %get3A_6 {offsets = [18, 0, 0], sizes = [1, 8, 128], strides = [1, 1, 1]} : vector<20x8x128xf32> to vector<1x8x128xf32>
      %squeeze3A_753 = vector.shape_cast %slice3A_752 : vector<1x8x128xf32> to vector<8x128xf32>
      %jit3A_754 = arith.constant 0xFF800000 : f32
      %broadcast_in_dim3A_755 = vector.broadcast %jit3A_754 : f32 to vector<8x128xf32>
      %select_n3A_756 = arith.select %squeeze3A_751, %squeeze3A_753, %broadcast_in_dim3A_755 : vector<8x128xi1>, vector<8x128xf32>
      %slice3A_757 = vector.extract_strided_slice %eq3A_458 {offsets = [19, 0, 0], sizes = [1, 8, 128], strides = [1, 1, 1]} : vector<20x8x128xi1> to vector<1x8x128xi1>
      %squeeze3A_758 = vector.shape_cast %slice3A_757 : vector<1x8x128xi1> to vector<8x128xi1>
      %slice3A_759 = vector.extract_strided_slice %get3A_6 {offsets = [19, 0, 0], sizes = [1, 8, 128], strides = [1, 1, 1]} : vector<20x8x128xf32> to vector<1x8x128xf32>
      %squeeze3A_760 = vector.shape_cast %slice3A_759 : vector<1x8x128xf32> to vector<8x128xf32>
      %jit3A_761 = arith.constant 0xFF800000 : f32
      %broadcast_in_dim3A_762 = vector.broadcast %jit3A_761 : f32 to vector<8x128xf32>
      %select_n3A_763 = arith.select %squeeze3A_758, %squeeze3A_760, %broadcast_in_dim3A_762 : vector<8x128xi1>, vector<8x128xf32>
      %max3A_764 = arith.maximumf %select_n3A_630, %select_n3A_637 : vector<8x128xf32>
      %max3A_765 = arith.maximumf %select_n3A_644, %select_n3A_651 : vector<8x128xf32>
      %max3A_766 = arith.maximumf %select_n3A_658, %select_n3A_665 : vector<8x128xf32>
      %max3A_767 = arith.maximumf %select_n3A_672, %select_n3A_679 : vector<8x128xf32>
      %max3A_768 = arith.maximumf %select_n3A_686, %select_n3A_693 : vector<8x128xf32>
      %max3A_769 = arith.maximumf %select_n3A_700, %select_n3A_707 : vector<8x128xf32>
      %max3A_770 = arith.maximumf %select_n3A_714, %select_n3A_721 : vector<8x128xf32>
      %max3A_771 = arith.maximumf %select_n3A_728, %select_n3A_735 : vector<8x128xf32>
      %max3A_772 = arith.maximumf %select_n3A_742, %select_n3A_749 : vector<8x128xf32>
      %max3A_773 = arith.maximumf %select_n3A_756, %select_n3A_763 : vector<8x128xf32>
      %max3A_774 = arith.maximumf %max3A_764, %max3A_765 : vector<8x128xf32>
      %max3A_775 = arith.maximumf %max3A_766, %max3A_767 : vector<8x128xf32>
      %max3A_776 = arith.maximumf %max3A_768, %max3A_769 : vector<8x128xf32>
      %max3A_777 = arith.maximumf %max3A_770, %max3A_771 : vector<8x128xf32>
      %max3A_778 = arith.maximumf %max3A_772, %max3A_773 : vector<8x128xf32>
      %max3A_779 = arith.maximumf %max3A_774, %max3A_775 : vector<8x128xf32>
      %max3A_780 = arith.maximumf %max3A_776, %max3A_777 : vector<8x128xf32>
      %max3A_781 = arith.maximumf %max3A_779, %max3A_780 : vector<8x128xf32>
      %max3A_782 = arith.maximumf %max3A_781, %max3A_778 : vector<8x128xf32>
      %roll3A_783 = arith.constant 4 : i32
      %roll3A_784 = tpu.dynamic_rotate %max3A_782 by %roll3A_783 dim 0 : vector<8x128xf32>, i32 -> vector<8x128xf32>
      %max3A_785 = arith.maximumf %max3A_782, %roll3A_784 : vector<8x128xf32>
      %reduce_max3A_786 = arith.constant dense<0xFF800000> : vector<8xf32>
      %reduce_max3A_787 = vector.multi_reduction <maximumf>, %max3A_785, %reduce_max3A_786 [1] : vector<8x128xf32> to vector<8xf32>
      %broadcast_in_dim3A_788 = vector.shape_cast %reduce_max3A_787 : vector<8xf32> to vector<8x1xf32>
      %slice3A_789 = vector.extract_strided_slice %eq3A_458 {offsets = [0, 0, 0], sizes = [1, 8, 128], strides = [1, 1, 1]} : vector<20x8x128xi1> to vector<1x8x128xi1>
      %squeeze3A_790 = vector.shape_cast %slice3A_789 : vector<1x8x128xi1> to vector<8x128xi1>
      %slice3A_791 = vector.extract_strided_slice %get3A_10 {offsets = [0, 0, 0], sizes = [1, 8, 128], strides = [1, 1, 1]} : vector<20x8x128xf32> to vector<1x8x128xf32>
      %squeeze3A_792 = vector.shape_cast %slice3A_791 : vector<1x8x128xf32> to vector<8x128xf32>
      %jit3A_793 = arith.constant 0xFF800000 : f32
      %broadcast_in_dim3A_794 = vector.broadcast %jit3A_793 : f32 to vector<8x128xf32>
      %select_n3A_795 = arith.select %squeeze3A_790, %squeeze3A_792, %broadcast_in_dim3A_794 : vector<8x128xi1>, vector<8x128xf32>
      %slice3A_796 = vector.extract_strided_slice %eq3A_458 {offsets = [1, 0, 0], sizes = [1, 8, 128], strides = [1, 1, 1]} : vector<20x8x128xi1> to vector<1x8x128xi1>
      %squeeze3A_797 = vector.shape_cast %slice3A_796 : vector<1x8x128xi1> to vector<8x128xi1>
      %slice3A_798 = vector.extract_strided_slice %get3A_10 {offsets = [1, 0, 0], sizes = [1, 8, 128], strides = [1, 1, 1]} : vector<20x8x128xf32> to vector<1x8x128xf32>
      %squeeze3A_799 = vector.shape_cast %slice3A_798 : vector<1x8x128xf32> to vector<8x128xf32>
      %jit3A_800 = arith.constant 0xFF800000 : f32
      %broadcast_in_dim3A_801 = vector.broadcast %jit3A_800 : f32 to vector<8x128xf32>
      %select_n3A_802 = arith.select %squeeze3A_797, %squeeze3A_799, %broadcast_in_dim3A_801 : vector<8x128xi1>, vector<8x128xf32>
      %slice3A_803 = vector.extract_strided_slice %eq3A_458 {offsets = [2, 0, 0], sizes = [1, 8, 128], strides = [1, 1, 1]} : vector<20x8x128xi1> to vector<1x8x128xi1>
      %squeeze3A_804 = vector.shape_cast %slice3A_803 : vector<1x8x128xi1> to vector<8x128xi1>
      %slice3A_805 = vector.extract_strided_slice %get3A_10 {offsets = [2, 0, 0], sizes = [1, 8, 128], strides = [1, 1, 1]} : vector<20x8x128xf32> to vector<1x8x128xf32>
      %squeeze3A_806 = vector.shape_cast %slice3A_805 : vector<1x8x128xf32> to vector<8x128xf32>
      %jit3A_807 = arith.constant 0xFF800000 : f32
      %broadcast_in_dim3A_808 = vector.broadcast %jit3A_807 : f32 to vector<8x128xf32>
      %select_n3A_809 = arith.select %squeeze3A_804, %squeeze3A_806, %broadcast_in_dim3A_808 : vector<8x128xi1>, vector<8x128xf32>
      %slice3A_810 = vector.extract_strided_slice %eq3A_458 {offsets = [3, 0, 0], sizes = [1, 8, 128], strides = [1, 1, 1]} : vector<20x8x128xi1> to vector<1x8x128xi1>
      %squeeze3A_811 = vector.shape_cast %slice3A_810 : vector<1x8x128xi1> to vector<8x128xi1>
      %slice3A_812 = vector.extract_strided_slice %get3A_10 {offsets = [3, 0, 0], sizes = [1, 8, 128], strides = [1, 1, 1]} : vector<20x8x128xf32> to vector<1x8x128xf32>
      %squeeze3A_813 = vector.shape_cast %slice3A_812 : vector<1x8x128xf32> to vector<8x128xf32>
      %jit3A_814 = arith.constant 0xFF800000 : f32
      %broadcast_in_dim3A_815 = vector.broadcast %jit3A_814 : f32 to vector<8x128xf32>
      %select_n3A_816 = arith.select %squeeze3A_811, %squeeze3A_813, %broadcast_in_dim3A_815 : vector<8x128xi1>, vector<8x128xf32>
      %slice3A_817 = vector.extract_strided_slice %eq3A_458 {offsets = [4, 0, 0], sizes = [1, 8, 128], strides = [1, 1, 1]} : vector<20x8x128xi1> to vector<1x8x128xi1>
      %squeeze3A_818 = vector.shape_cast %slice3A_817 : vector<1x8x128xi1> to vector<8x128xi1>
      %slice3A_819 = vector.extract_strided_slice %get3A_10 {offsets = [4, 0, 0], sizes = [1, 8, 128], strides = [1, 1, 1]} : vector<20x8x128xf32> to vector<1x8x128xf32>
      %squeeze3A_820 = vector.shape_cast %slice3A_819 : vector<1x8x128xf32> to vector<8x128xf32>
      %jit3A_821 = arith.constant 0xFF800000 : f32
      %broadcast_in_dim3A_822 = vector.broadcast %jit3A_821 : f32 to vector<8x128xf32>
      %select_n3A_823 = arith.select %squeeze3A_818, %squeeze3A_820, %broadcast_in_dim3A_822 : vector<8x128xi1>, vector<8x128xf32>
      %slice3A_824 = vector.extract_strided_slice %eq3A_458 {offsets = [5, 0, 0], sizes = [1, 8, 128], strides = [1, 1, 1]} : vector<20x8x128xi1> to vector<1x8x128xi1>
      %squeeze3A_825 = vector.shape_cast %slice3A_824 : vector<1x8x128xi1> to vector<8x128xi1>
      %slice3A_826 = vector.extract_strided_slice %get3A_10 {offsets = [5, 0, 0], sizes = [1, 8, 128], strides = [1, 1, 1]} : vector<20x8x128xf32> to vector<1x8x128xf32>
      %squeeze3A_827 = vector.shape_cast %slice3A_826 : vector<1x8x128xf32> to vector<8x128xf32>
      %jit3A_828 = arith.constant 0xFF800000 : f32
      %broadcast_in_dim3A_829 = vector.broadcast %jit3A_828 : f32 to vector<8x128xf32>
      %select_n3A_830 = arith.select %squeeze3A_825, %squeeze3A_827, %broadcast_in_dim3A_829 : vector<8x128xi1>, vector<8x128xf32>
      %slice3A_831 = vector.extract_strided_slice %eq3A_458 {offsets = [6, 0, 0], sizes = [1, 8, 128], strides = [1, 1, 1]} : vector<20x8x128xi1> to vector<1x8x128xi1>
      %squeeze3A_832 = vector.shape_cast %slice3A_831 : vector<1x8x128xi1> to vector<8x128xi1>
      %slice3A_833 = vector.extract_strided_slice %get3A_10 {offsets = [6, 0, 0], sizes = [1, 8, 128], strides = [1, 1, 1]} : vector<20x8x128xf32> to vector<1x8x128xf32>
      %squeeze3A_834 = vector.shape_cast %slice3A_833 : vector<1x8x128xf32> to vector<8x128xf32>
      %jit3A_835 = arith.constant 0xFF800000 : f32
      %broadcast_in_dim3A_836 = vector.broadcast %jit3A_835 : f32 to vector<8x128xf32>
      %select_n3A_837 = arith.select %squeeze3A_832, %squeeze3A_834, %broadcast_in_dim3A_836 : vector<8x128xi1>, vector<8x128xf32>
      %slice3A_838 = vector.extract_strided_slice %eq3A_458 {offsets = [7, 0, 0], sizes = [1, 8, 128], strides = [1, 1, 1]} : vector<20x8x128xi1> to vector<1x8x128xi1>
      %squeeze3A_839 = vector.shape_cast %slice3A_838 : vector<1x8x128xi1> to vector<8x128xi1>
      %slice3A_840 = vector.extract_strided_slice %get3A_10 {offsets = [7, 0, 0], sizes = [1, 8, 128], strides = [1, 1, 1]} : vector<20x8x128xf32> to vector<1x8x128xf32>
      %squeeze3A_841 = vector.shape_cast %slice3A_840 : vector<1x8x128xf32> to vector<8x128xf32>
      %jit3A_842 = arith.constant 0xFF800000 : f32
      %broadcast_in_dim3A_843 = vector.broadcast %jit3A_842 : f32 to vector<8x128xf32>
      %select_n3A_844 = arith.select %squeeze3A_839, %squeeze3A_841, %broadcast_in_dim3A_843 : vector<8x128xi1>, vector<8x128xf32>
      %slice3A_845 = vector.extract_strided_slice %eq3A_458 {offsets = [8, 0, 0], sizes = [1, 8, 128], strides = [1, 1, 1]} : vector<20x8x128xi1> to vector<1x8x128xi1>
      %squeeze3A_846 = vector.shape_cast %slice3A_845 : vector<1x8x128xi1> to vector<8x128xi1>
      %slice3A_847 = vector.extract_strided_slice %get3A_10 {offsets = [8, 0, 0], sizes = [1, 8, 128], strides = [1, 1, 1]} : vector<20x8x128xf32> to vector<1x8x128xf32>
      %squeeze3A_848 = vector.shape_cast %slice3A_847 : vector<1x8x128xf32> to vector<8x128xf32>
      %jit3A_849 = arith.constant 0xFF800000 : f32
      %broadcast_in_dim3A_850 = vector.broadcast %jit3A_849 : f32 to vector<8x128xf32>
      %select_n3A_851 = arith.select %squeeze3A_846, %squeeze3A_848, %broadcast_in_dim3A_850 : vector<8x128xi1>, vector<8x128xf32>
      %slice3A_852 = vector.extract_strided_slice %eq3A_458 {offsets = [9, 0, 0], sizes = [1, 8, 128], strides = [1, 1, 1]} : vector<20x8x128xi1> to vector<1x8x128xi1>
      %squeeze3A_853 = vector.shape_cast %slice3A_852 : vector<1x8x128xi1> to vector<8x128xi1>
      %slice3A_854 = vector.extract_strided_slice %get3A_10 {offsets = [9, 0, 0], sizes = [1, 8, 128], strides = [1, 1, 1]} : vector<20x8x128xf32> to vector<1x8x128xf32>
      %squeeze3A_855 = vector.shape_cast %slice3A_854 : vector<1x8x128xf32> to vector<8x128xf32>
      %jit3A_856 = arith.constant 0xFF800000 : f32
      %broadcast_in_dim3A_857 = vector.broadcast %jit3A_856 : f32 to vector<8x128xf32>
      %select_n3A_858 = arith.select %squeeze3A_853, %squeeze3A_855, %broadcast_in_dim3A_857 : vector<8x128xi1>, vector<8x128xf32>
      %slice3A_859 = vector.extract_strided_slice %eq3A_458 {offsets = [10, 0, 0], sizes = [1, 8, 128], strides = [1, 1, 1]} : vector<20x8x128xi1> to vector<1x8x128xi1>
      %squeeze3A_860 = vector.shape_cast %slice3A_859 : vector<1x8x128xi1> to vector<8x128xi1>
      %slice3A_861 = vector.extract_strided_slice %get3A_10 {offsets = [10, 0, 0], sizes = [1, 8, 128], strides = [1, 1, 1]} : vector<20x8x128xf32> to vector<1x8x128xf32>
      %squeeze3A_862 = vector.shape_cast %slice3A_861 : vector<1x8x128xf32> to vector<8x128xf32>
      %jit3A_863 = arith.constant 0xFF800000 : f32
      %broadcast_in_dim3A_864 = vector.broadcast %jit3A_863 : f32 to vector<8x128xf32>
      %select_n3A_865 = arith.select %squeeze3A_860, %squeeze3A_862, %broadcast_in_dim3A_864 : vector<8x128xi1>, vector<8x128xf32>
      %slice3A_866 = vector.extract_strided_slice %eq3A_458 {offsets = [11, 0, 0], sizes = [1, 8, 128], strides = [1, 1, 1]} : vector<20x8x128xi1> to vector<1x8x128xi1>
      %squeeze3A_867 = vector.shape_cast %slice3A_866 : vector<1x8x128xi1> to vector<8x128xi1>
      %slice3A_868 = vector.extract_strided_slice %get3A_10 {offsets = [11, 0, 0], sizes = [1, 8, 128], strides = [1, 1, 1]} : vector<20x8x128xf32> to vector<1x8x128xf32>
      %squeeze3A_869 = vector.shape_cast %slice3A_868 : vector<1x8x128xf32> to vector<8x128xf32>
      %jit3A_870 = arith.constant 0xFF800000 : f32
      %broadcast_in_dim3A_871 = vector.broadcast %jit3A_870 : f32 to vector<8x128xf32>
      %select_n3A_872 = arith.select %squeeze3A_867, %squeeze3A_869, %broadcast_in_dim3A_871 : vector<8x128xi1>, vector<8x128xf32>
      %slice3A_873 = vector.extract_strided_slice %eq3A_458 {offsets = [12, 0, 0], sizes = [1, 8, 128], strides = [1, 1, 1]} : vector<20x8x128xi1> to vector<1x8x128xi1>
      %squeeze3A_874 = vector.shape_cast %slice3A_873 : vector<1x8x128xi1> to vector<8x128xi1>
      %slice3A_875 = vector.extract_strided_slice %get3A_10 {offsets = [12, 0, 0], sizes = [1, 8, 128], strides = [1, 1, 1]} : vector<20x8x128xf32> to vector<1x8x128xf32>
      %squeeze3A_876 = vector.shape_cast %slice3A_875 : vector<1x8x128xf32> to vector<8x128xf32>
      %jit3A_877 = arith.constant 0xFF800000 : f32
      %broadcast_in_dim3A_878 = vector.broadcast %jit3A_877 : f32 to vector<8x128xf32>
      %select_n3A_879 = arith.select %squeeze3A_874, %squeeze3A_876, %broadcast_in_dim3A_878 : vector<8x128xi1>, vector<8x128xf32>
      %slice3A_880 = vector.extract_strided_slice %eq3A_458 {offsets = [13, 0, 0], sizes = [1, 8, 128], strides = [1, 1, 1]} : vector<20x8x128xi1> to vector<1x8x128xi1>
      %squeeze3A_881 = vector.shape_cast %slice3A_880 : vector<1x8x128xi1> to vector<8x128xi1>
      %slice3A_882 = vector.extract_strided_slice %get3A_10 {offsets = [13, 0, 0], sizes = [1, 8, 128], strides = [1, 1, 1]} : vector<20x8x128xf32> to vector<1x8x128xf32>
      %squeeze3A_883 = vector.shape_cast %slice3A_882 : vector<1x8x128xf32> to vector<8x128xf32>
      %jit3A_884 = arith.constant 0xFF800000 : f32
      %broadcast_in_dim3A_885 = vector.broadcast %jit3A_884 : f32 to vector<8x128xf32>
      %select_n3A_886 = arith.select %squeeze3A_881, %squeeze3A_883, %broadcast_in_dim3A_885 : vector<8x128xi1>, vector<8x128xf32>
      %slice3A_887 = vector.extract_strided_slice %eq3A_458 {offsets = [14, 0, 0], sizes = [1, 8, 128], strides = [1, 1, 1]} : vector<20x8x128xi1> to vector<1x8x128xi1>
      %squeeze3A_888 = vector.shape_cast %slice3A_887 : vector<1x8x128xi1> to vector<8x128xi1>
      %slice3A_889 = vector.extract_strided_slice %get3A_10 {offsets = [14, 0, 0], sizes = [1, 8, 128], strides = [1, 1, 1]} : vector<20x8x128xf32> to vector<1x8x128xf32>
      %squeeze3A_890 = vector.shape_cast %slice3A_889 : vector<1x8x128xf32> to vector<8x128xf32>
      %jit3A_891 = arith.constant 0xFF800000 : f32
      %broadcast_in_dim3A_892 = vector.broadcast %jit3A_891 : f32 to vector<8x128xf32>
      %select_n3A_893 = arith.select %squeeze3A_888, %squeeze3A_890, %broadcast_in_dim3A_892 : vector<8x128xi1>, vector<8x128xf32>
      %slice3A_894 = vector.extract_strided_slice %eq3A_458 {offsets = [15, 0, 0], sizes = [1, 8, 128], strides = [1, 1, 1]} : vector<20x8x128xi1> to vector<1x8x128xi1>
      %squeeze3A_895 = vector.shape_cast %slice3A_894 : vector<1x8x128xi1> to vector<8x128xi1>
      %slice3A_896 = vector.extract_strided_slice %get3A_10 {offsets = [15, 0, 0], sizes = [1, 8, 128], strides = [1, 1, 1]} : vector<20x8x128xf32> to vector<1x8x128xf32>
      %squeeze3A_897 = vector.shape_cast %slice3A_896 : vector<1x8x128xf32> to vector<8x128xf32>
      %jit3A_898 = arith.constant 0xFF800000 : f32
      %broadcast_in_dim3A_899 = vector.broadcast %jit3A_898 : f32 to vector<8x128xf32>
      %select_n3A_900 = arith.select %squeeze3A_895, %squeeze3A_897, %broadcast_in_dim3A_899 : vector<8x128xi1>, vector<8x128xf32>
      %slice3A_901 = vector.extract_strided_slice %eq3A_458 {offsets = [16, 0, 0], sizes = [1, 8, 128], strides = [1, 1, 1]} : vector<20x8x128xi1> to vector<1x8x128xi1>
      %squeeze3A_902 = vector.shape_cast %slice3A_901 : vector<1x8x128xi1> to vector<8x128xi1>
      %slice3A_903 = vector.extract_strided_slice %get3A_10 {offsets = [16, 0, 0], sizes = [1, 8, 128], strides = [1, 1, 1]} : vector<20x8x128xf32> to vector<1x8x128xf32>
      %squeeze3A_904 = vector.shape_cast %slice3A_903 : vector<1x8x128xf32> to vector<8x128xf32>
      %jit3A_905 = arith.constant 0xFF800000 : f32
      %broadcast_in_dim3A_906 = vector.broadcast %jit3A_905 : f32 to vector<8x128xf32>
      %select_n3A_907 = arith.select %squeeze3A_902, %squeeze3A_904, %broadcast_in_dim3A_906 : vector<8x128xi1>, vector<8x128xf32>
      %slice3A_908 = vector.extract_strided_slice %eq3A_458 {offsets = [17, 0, 0], sizes = [1, 8, 128], strides = [1, 1, 1]} : vector<20x8x128xi1> to vector<1x8x128xi1>
      %squeeze3A_909 = vector.shape_cast %slice3A_908 : vector<1x8x128xi1> to vector<8x128xi1>
      %slice3A_910 = vector.extract_strided_slice %get3A_10 {offsets = [17, 0, 0], sizes = [1, 8, 128], strides = [1, 1, 1]} : vector<20x8x128xf32> to vector<1x8x128xf32>
      %squeeze3A_911 = vector.shape_cast %slice3A_910 : vector<1x8x128xf32> to vector<8x128xf32>
      %jit3A_912 = arith.constant 0xFF800000 : f32
      %broadcast_in_dim3A_913 = vector.broadcast %jit3A_912 : f32 to vector<8x128xf32>
      %select_n3A_914 = arith.select %squeeze3A_909, %squeeze3A_911, %broadcast_in_dim3A_913 : vector<8x128xi1>, vector<8x128xf32>
      %slice3A_915 = vector.extract_strided_slice %eq3A_458 {offsets = [18, 0, 0], sizes = [1, 8, 128], strides = [1, 1, 1]} : vector<20x8x128xi1> to vector<1x8x128xi1>
      %squeeze3A_916 = vector.shape_cast %slice3A_915 : vector<1x8x128xi1> to vector<8x128xi1>
      %slice3A_917 = vector.extract_strided_slice %get3A_10 {offsets = [18, 0, 0], sizes = [1, 8, 128], strides = [1, 1, 1]} : vector<20x8x128xf32> to vector<1x8x128xf32>
      %squeeze3A_918 = vector.shape_cast %slice3A_917 : vector<1x8x128xf32> to vector<8x128xf32>
      %jit3A_919 = arith.constant 0xFF800000 : f32
      %broadcast_in_dim3A_920 = vector.broadcast %jit3A_919 : f32 to vector<8x128xf32>
      %select_n3A_921 = arith.select %squeeze3A_916, %squeeze3A_918, %broadcast_in_dim3A_920 : vector<8x128xi1>, vector<8x128xf32>
      %slice3A_922 = vector.extract_strided_slice %eq3A_458 {offsets = [19, 0, 0], sizes = [1, 8, 128], strides = [1, 1, 1]} : vector<20x8x128xi1> to vector<1x8x128xi1>
      %squeeze3A_923 = vector.shape_cast %slice3A_922 : vector<1x8x128xi1> to vector<8x128xi1>
      %slice3A_924 = vector.extract_strided_slice %get3A_10 {offsets = [19, 0, 0], sizes = [1, 8, 128], strides = [1, 1, 1]} : vector<20x8x128xf32> to vector<1x8x128xf32>
      %squeeze3A_925 = vector.shape_cast %slice3A_924 : vector<1x8x128xf32> to vector<8x128xf32>
      %jit3A_926 = arith.constant 0xFF800000 : f32
      %broadcast_in_dim3A_927 = vector.broadcast %jit3A_926 : f32 to vector<8x128xf32>
      %select_n3A_928 = arith.select %squeeze3A_923, %squeeze3A_925, %broadcast_in_dim3A_927 : vector<8x128xi1>, vector<8x128xf32>
      %max3A_929 = arith.maximumf %select_n3A_795, %select_n3A_802 : vector<8x128xf32>
      %max3A_930 = arith.maximumf %select_n3A_809, %select_n3A_816 : vector<8x128xf32>
      %max3A_931 = arith.maximumf %select_n3A_823, %select_n3A_830 : vector<8x128xf32>
      %max3A_932 = arith.maximumf %select_n3A_837, %select_n3A_844 : vector<8x128xf32>
      %max3A_933 = arith.maximumf %select_n3A_851, %select_n3A_858 : vector<8x128xf32>
      %max3A_934 = arith.maximumf %select_n3A_865, %select_n3A_872 : vector<8x128xf32>
      %max3A_935 = arith.maximumf %select_n3A_879, %select_n3A_886 : vector<8x128xf32>
      %max3A_936 = arith.maximumf %select_n3A_893, %select_n3A_900 : vector<8x128xf32>
      %max3A_937 = arith.maximumf %select_n3A_907, %select_n3A_914 : vector<8x128xf32>
      %max3A_938 = arith.maximumf %select_n3A_921, %select_n3A_928 : vector<8x128xf32>
      %max3A_939 = arith.maximumf %max3A_929, %max3A_930 : vector<8x128xf32>
      %max3A_940 = arith.maximumf %max3A_931, %max3A_932 : vector<8x128xf32>
      %max3A_941 = arith.maximumf %max3A_933, %max3A_934 : vector<8x128xf32>
      %max3A_942 = arith.maximumf %max3A_935, %max3A_936 : vector<8x128xf32>
      %max3A_943 = arith.maximumf %max3A_937, %max3A_938 : vector<8x128xf32>
      %max3A_944 = arith.maximumf %max3A_939, %max3A_940 : vector<8x128xf32>
      %max3A_945 = arith.maximumf %max3A_941, %max3A_942 : vector<8x128xf32>
      %max3A_946 = arith.maximumf %max3A_944, %max3A_945 : vector<8x128xf32>
      %max3A_947 = arith.maximumf %max3A_946, %max3A_943 : vector<8x128xf32>
      %roll3A_948 = arith.constant 4 : i32
      %roll3A_949 = tpu.dynamic_rotate %max3A_947 by %roll3A_948 dim 0 : vector<8x128xf32>, i32 -> vector<8x128xf32>
      %max3A_950 = arith.maximumf %max3A_947, %roll3A_949 : vector<8x128xf32>
      %reduce_max3A_951 = arith.constant dense<0xFF800000> : vector<8xf32>
      %reduce_max3A_952 = vector.multi_reduction <maximumf>, %max3A_950, %reduce_max3A_951 [1] : vector<8x128xf32> to vector<8xf32>
      %broadcast_in_dim3A_953 = vector.shape_cast %reduce_max3A_952 : vector<8xf32> to vector<8x1xf32>
      %slice3A_954 = vector.extract_strided_slice %eq3A_458 {offsets = [0, 0, 0], sizes = [1, 8, 128], strides = [1, 1, 1]} : vector<20x8x128xi1> to vector<1x8x128xi1>
      %squeeze3A_955 = vector.shape_cast %slice3A_954 : vector<1x8x128xi1> to vector<8x128xi1>
      %slice3A_956 = vector.extract_strided_slice %get3A_14 {offsets = [0, 0, 0], sizes = [1, 8, 128], strides = [1, 1, 1]} : vector<20x8x128xf32> to vector<1x8x128xf32>
      %squeeze3A_957 = vector.shape_cast %slice3A_956 : vector<1x8x128xf32> to vector<8x128xf32>
      %jit3A_958 = arith.constant 0xFF800000 : f32
      %broadcast_in_dim3A_959 = vector.broadcast %jit3A_958 : f32 to vector<8x128xf32>
      %select_n3A_960 = arith.select %squeeze3A_955, %squeeze3A_957, %broadcast_in_dim3A_959 : vector<8x128xi1>, vector<8x128xf32>
      %slice3A_961 = vector.extract_strided_slice %eq3A_458 {offsets = [1, 0, 0], sizes = [1, 8, 128], strides = [1, 1, 1]} : vector<20x8x128xi1> to vector<1x8x128xi1>
      %squeeze3A_962 = vector.shape_cast %slice3A_961 : vector<1x8x128xi1> to vector<8x128xi1>
      %slice3A_963 = vector.extract_strided_slice %get3A_14 {offsets = [1, 0, 0], sizes = [1, 8, 128], strides = [1, 1, 1]} : vector<20x8x128xf32> to vector<1x8x128xf32>
      %squeeze3A_964 = vector.shape_cast %slice3A_963 : vector<1x8x128xf32> to vector<8x128xf32>
      %jit3A_965 = arith.constant 0xFF800000 : f32
      %broadcast_in_dim3A_966 = vector.broadcast %jit3A_965 : f32 to vector<8x128xf32>
      %select_n3A_967 = arith.select %squeeze3A_962, %squeeze3A_964, %broadcast_in_dim3A_966 : vector<8x128xi1>, vector<8x128xf32>
      %slice3A_968 = vector.extract_strided_slice %eq3A_458 {offsets = [2, 0, 0], sizes = [1, 8, 128], strides = [1, 1, 1]} : vector<20x8x128xi1> to vector<1x8x128xi1>
      %squeeze3A_969 = vector.shape_cast %slice3A_968 : vector<1x8x128xi1> to vector<8x128xi1>
      %slice3A_970 = vector.extract_strided_slice %get3A_14 {offsets = [2, 0, 0], sizes = [1, 8, 128], strides = [1, 1, 1]} : vector<20x8x128xf32> to vector<1x8x128xf32>
      %squeeze3A_971 = vector.shape_cast %slice3A_970 : vector<1x8x128xf32> to vector<8x128xf32>
      %jit3A_972 = arith.constant 0xFF800000 : f32
      %broadcast_in_dim3A_973 = vector.broadcast %jit3A_972 : f32 to vector<8x128xf32>
      %select_n3A_974 = arith.select %squeeze3A_969, %squeeze3A_971, %broadcast_in_dim3A_973 : vector<8x128xi1>, vector<8x128xf32>
      %slice3A_975 = vector.extract_strided_slice %eq3A_458 {offsets = [3, 0, 0], sizes = [1, 8, 128], strides = [1, 1, 1]} : vector<20x8x128xi1> to vector<1x8x128xi1>
      %squeeze3A_976 = vector.shape_cast %slice3A_975 : vector<1x8x128xi1> to vector<8x128xi1>
      %slice3A_977 = vector.extract_strided_slice %get3A_14 {offsets = [3, 0, 0], sizes = [1, 8, 128], strides = [1, 1, 1]} : vector<20x8x128xf32> to vector<1x8x128xf32>
      %squeeze3A_978 = vector.shape_cast %slice3A_977 : vector<1x8x128xf32> to vector<8x128xf32>
      %jit3A_979 = arith.constant 0xFF800000 : f32
      %broadcast_in_dim3A_980 = vector.broadcast %jit3A_979 : f32 to vector<8x128xf32>
      %select_n3A_981 = arith.select %squeeze3A_976, %squeeze3A_978, %broadcast_in_dim3A_980 : vector<8x128xi1>, vector<8x128xf32>
      %slice3A_982 = vector.extract_strided_slice %eq3A_458 {offsets = [4, 0, 0], sizes = [1, 8, 128], strides = [1, 1, 1]} : vector<20x8x128xi1> to vector<1x8x128xi1>
      %squeeze3A_983 = vector.shape_cast %slice3A_982 : vector<1x8x128xi1> to vector<8x128xi1>
      %slice3A_984 = vector.extract_strided_slice %get3A_14 {offsets = [4, 0, 0], sizes = [1, 8, 128], strides = [1, 1, 1]} : vector<20x8x128xf32> to vector<1x8x128xf32>
      %squeeze3A_985 = vector.shape_cast %slice3A_984 : vector<1x8x128xf32> to vector<8x128xf32>
      %jit3A_986 = arith.constant 0xFF800000 : f32
      %broadcast_in_dim3A_987 = vector.broadcast %jit3A_986 : f32 to vector<8x128xf32>
      %select_n3A_988 = arith.select %squeeze3A_983, %squeeze3A_985, %broadcast_in_dim3A_987 : vector<8x128xi1>, vector<8x128xf32>
      %slice3A_989 = vector.extract_strided_slice %eq3A_458 {offsets = [5, 0, 0], sizes = [1, 8, 128], strides = [1, 1, 1]} : vector<20x8x128xi1> to vector<1x8x128xi1>
      %squeeze3A_990 = vector.shape_cast %slice3A_989 : vector<1x8x128xi1> to vector<8x128xi1>
      %slice3A_991 = vector.extract_strided_slice %get3A_14 {offsets = [5, 0, 0], sizes = [1, 8, 128], strides = [1, 1, 1]} : vector<20x8x128xf32> to vector<1x8x128xf32>
      %squeeze3A_992 = vector.shape_cast %slice3A_991 : vector<1x8x128xf32> to vector<8x128xf32>
      %jit3A_993 = arith.constant 0xFF800000 : f32
      %broadcast_in_dim3A_994 = vector.broadcast %jit3A_993 : f32 to vector<8x128xf32>
      %select_n3A_995 = arith.select %squeeze3A_990, %squeeze3A_992, %broadcast_in_dim3A_994 : vector<8x128xi1>, vector<8x128xf32>
      %slice3A_996 = vector.extract_strided_slice %eq3A_458 {offsets = [6, 0, 0], sizes = [1, 8, 128], strides = [1, 1, 1]} : vector<20x8x128xi1> to vector<1x8x128xi1>
      %squeeze3A_997 = vector.shape_cast %slice3A_996 : vector<1x8x128xi1> to vector<8x128xi1>
      %slice3A_998 = vector.extract_strided_slice %get3A_14 {offsets = [6, 0, 0], sizes = [1, 8, 128], strides = [1, 1, 1]} : vector<20x8x128xf32> to vector<1x8x128xf32>
      %squeeze3A_999 = vector.shape_cast %slice3A_998 : vector<1x8x128xf32> to vector<8x128xf32>
      %jit3A_1000 = arith.constant 0xFF800000 : f32
      %broadcast_in_dim3A_1001 = vector.broadcast %jit3A_1000 : f32 to vector<8x128xf32>
      %select_n3A_1002 = arith.select %squeeze3A_997, %squeeze3A_999, %broadcast_in_dim3A_1001 : vector<8x128xi1>, vector<8x128xf32>
      %slice3A_1003 = vector.extract_strided_slice %eq3A_458 {offsets = [7, 0, 0], sizes = [1, 8, 128], strides = [1, 1, 1]} : vector<20x8x128xi1> to vector<1x8x128xi1>
      %squeeze3A_1004 = vector.shape_cast %slice3A_1003 : vector<1x8x128xi1> to vector<8x128xi1>
      %slice3A_1005 = vector.extract_strided_slice %get3A_14 {offsets = [7, 0, 0], sizes = [1, 8, 128], strides = [1, 1, 1]} : vector<20x8x128xf32> to vector<1x8x128xf32>
      %squeeze3A_1006 = vector.shape_cast %slice3A_1005 : vector<1x8x128xf32> to vector<8x128xf32>
      %jit3A_1007 = arith.constant 0xFF800000 : f32
      %broadcast_in_dim3A_1008 = vector.broadcast %jit3A_1007 : f32 to vector<8x128xf32>
      %select_n3A_1009 = arith.select %squeeze3A_1004, %squeeze3A_1006, %broadcast_in_dim3A_1008 : vector<8x128xi1>, vector<8x128xf32>
      %slice3A_1010 = vector.extract_strided_slice %eq3A_458 {offsets = [8, 0, 0], sizes = [1, 8, 128], strides = [1, 1, 1]} : vector<20x8x128xi1> to vector<1x8x128xi1>
      %squeeze3A_1011 = vector.shape_cast %slice3A_1010 : vector<1x8x128xi1> to vector<8x128xi1>
      %slice3A_1012 = vector.extract_strided_slice %get3A_14 {offsets = [8, 0, 0], sizes = [1, 8, 128], strides = [1, 1, 1]} : vector<20x8x128xf32> to vector<1x8x128xf32>
      %squeeze3A_1013 = vector.shape_cast %slice3A_1012 : vector<1x8x128xf32> to vector<8x128xf32>
      %jit3A_1014 = arith.constant 0xFF800000 : f32
      %broadcast_in_dim3A_1015 = vector.broadcast %jit3A_1014 : f32 to vector<8x128xf32>
      %select_n3A_1016 = arith.select %squeeze3A_1011, %squeeze3A_1013, %broadcast_in_dim3A_1015 : vector<8x128xi1>, vector<8x128xf32>
      %slice3A_1017 = vector.extract_strided_slice %eq3A_458 {offsets = [9, 0, 0], sizes = [1, 8, 128], strides = [1, 1, 1]} : vector<20x8x128xi1> to vector<1x8x128xi1>
      %squeeze3A_1018 = vector.shape_cast %slice3A_1017 : vector<1x8x128xi1> to vector<8x128xi1>
      %slice3A_1019 = vector.extract_strided_slice %get3A_14 {offsets = [9, 0, 0], sizes = [1, 8, 128], strides = [1, 1, 1]} : vector<20x8x128xf32> to vector<1x8x128xf32>
      %squeeze3A_1020 = vector.shape_cast %slice3A_1019 : vector<1x8x128xf32> to vector<8x128xf32>
      %jit3A_1021 = arith.constant 0xFF800000 : f32
      %broadcast_in_dim3A_1022 = vector.broadcast %jit3A_1021 : f32 to vector<8x128xf32>
      %select_n3A_1023 = arith.select %squeeze3A_1018, %squeeze3A_1020, %broadcast_in_dim3A_1022 : vector<8x128xi1>, vector<8x128xf32>
      %slice3A_1024 = vector.extract_strided_slice %eq3A_458 {offsets = [10, 0, 0], sizes = [1, 8, 128], strides = [1, 1, 1]} : vector<20x8x128xi1> to vector<1x8x128xi1>
      %squeeze3A_1025 = vector.shape_cast %slice3A_1024 : vector<1x8x128xi1> to vector<8x128xi1>
      %slice3A_1026 = vector.extract_strided_slice %get3A_14 {offsets = [10, 0, 0], sizes = [1, 8, 128], strides = [1, 1, 1]} : vector<20x8x128xf32> to vector<1x8x128xf32>
      %squeeze3A_1027 = vector.shape_cast %slice3A_1026 : vector<1x8x128xf32> to vector<8x128xf32>
      %jit3A_1028 = arith.constant 0xFF800000 : f32
      %broadcast_in_dim3A_1029 = vector.broadcast %jit3A_1028 : f32 to vector<8x128xf32>
      %select_n3A_1030 = arith.select %squeeze3A_1025, %squeeze3A_1027, %broadcast_in_dim3A_1029 : vector<8x128xi1>, vector<8x128xf32>
      %slice3A_1031 = vector.extract_strided_slice %eq3A_458 {offsets = [11, 0, 0], sizes = [1, 8, 128], strides = [1, 1, 1]} : vector<20x8x128xi1> to vector<1x8x128xi1>
      %squeeze3A_1032 = vector.shape_cast %slice3A_1031 : vector<1x8x128xi1> to vector<8x128xi1>
      %slice3A_1033 = vector.extract_strided_slice %get3A_14 {offsets = [11, 0, 0], sizes = [1, 8, 128], strides = [1, 1, 1]} : vector<20x8x128xf32> to vector<1x8x128xf32>
      %squeeze3A_1034 = vector.shape_cast %slice3A_1033 : vector<1x8x128xf32> to vector<8x128xf32>
      %jit3A_1035 = arith.constant 0xFF800000 : f32
      %broadcast_in_dim3A_1036 = vector.broadcast %jit3A_1035 : f32 to vector<8x128xf32>
      %select_n3A_1037 = arith.select %squeeze3A_1032, %squeeze3A_1034, %broadcast_in_dim3A_1036 : vector<8x128xi1>, vector<8x128xf32>
      %slice3A_1038 = vector.extract_strided_slice %eq3A_458 {offsets = [12, 0, 0], sizes = [1, 8, 128], strides = [1, 1, 1]} : vector<20x8x128xi1> to vector<1x8x128xi1>
      %squeeze3A_1039 = vector.shape_cast %slice3A_1038 : vector<1x8x128xi1> to vector<8x128xi1>
      %slice3A_1040 = vector.extract_strided_slice %get3A_14 {offsets = [12, 0, 0], sizes = [1, 8, 128], strides = [1, 1, 1]} : vector<20x8x128xf32> to vector<1x8x128xf32>
      %squeeze3A_1041 = vector.shape_cast %slice3A_1040 : vector<1x8x128xf32> to vector<8x128xf32>
      %jit3A_1042 = arith.constant 0xFF800000 : f32
      %broadcast_in_dim3A_1043 = vector.broadcast %jit3A_1042 : f32 to vector<8x128xf32>
      %select_n3A_1044 = arith.select %squeeze3A_1039, %squeeze3A_1041, %broadcast_in_dim3A_1043 : vector<8x128xi1>, vector<8x128xf32>
      %slice3A_1045 = vector.extract_strided_slice %eq3A_458 {offsets = [13, 0, 0], sizes = [1, 8, 128], strides = [1, 1, 1]} : vector<20x8x128xi1> to vector<1x8x128xi1>
      %squeeze3A_1046 = vector.shape_cast %slice3A_1045 : vector<1x8x128xi1> to vector<8x128xi1>
      %slice3A_1047 = vector.extract_strided_slice %get3A_14 {offsets = [13, 0, 0], sizes = [1, 8, 128], strides = [1, 1, 1]} : vector<20x8x128xf32> to vector<1x8x128xf32>
      %squeeze3A_1048 = vector.shape_cast %slice3A_1047 : vector<1x8x128xf32> to vector<8x128xf32>
      %jit3A_1049 = arith.constant 0xFF800000 : f32
      %broadcast_in_dim3A_1050 = vector.broadcast %jit3A_1049 : f32 to vector<8x128xf32>
      %select_n3A_1051 = arith.select %squeeze3A_1046, %squeeze3A_1048, %broadcast_in_dim3A_1050 : vector<8x128xi1>, vector<8x128xf32>
      %slice3A_1052 = vector.extract_strided_slice %eq3A_458 {offsets = [14, 0, 0], sizes = [1, 8, 128], strides = [1, 1, 1]} : vector<20x8x128xi1> to vector<1x8x128xi1>
      %squeeze3A_1053 = vector.shape_cast %slice3A_1052 : vector<1x8x128xi1> to vector<8x128xi1>
      %slice3A_1054 = vector.extract_strided_slice %get3A_14 {offsets = [14, 0, 0], sizes = [1, 8, 128], strides = [1, 1, 1]} : vector<20x8x128xf32> to vector<1x8x128xf32>
      %squeeze3A_1055 = vector.shape_cast %slice3A_1054 : vector<1x8x128xf32> to vector<8x128xf32>
      %jit3A_1056 = arith.constant 0xFF800000 : f32
      %broadcast_in_dim3A_1057 = vector.broadcast %jit3A_1056 : f32 to vector<8x128xf32>
      %select_n3A_1058 = arith.select %squeeze3A_1053, %squeeze3A_1055, %broadcast_in_dim3A_1057 : vector<8x128xi1>, vector<8x128xf32>
      %slice3A_1059 = vector.extract_strided_slice %eq3A_458 {offsets = [15, 0, 0], sizes = [1, 8, 128], strides = [1, 1, 1]} : vector<20x8x128xi1> to vector<1x8x128xi1>
      %squeeze3A_1060 = vector.shape_cast %slice3A_1059 : vector<1x8x128xi1> to vector<8x128xi1>
      %slice3A_1061 = vector.extract_strided_slice %get3A_14 {offsets = [15, 0, 0], sizes = [1, 8, 128], strides = [1, 1, 1]} : vector<20x8x128xf32> to vector<1x8x128xf32>
      %squeeze3A_1062 = vector.shape_cast %slice3A_1061 : vector<1x8x128xf32> to vector<8x128xf32>
      %jit3A_1063 = arith.constant 0xFF800000 : f32
      %broadcast_in_dim3A_1064 = vector.broadcast %jit3A_1063 : f32 to vector<8x128xf32>
      %select_n3A_1065 = arith.select %squeeze3A_1060, %squeeze3A_1062, %broadcast_in_dim3A_1064 : vector<8x128xi1>, vector<8x128xf32>
      %slice3A_1066 = vector.extract_strided_slice %eq3A_458 {offsets = [16, 0, 0], sizes = [1, 8, 128], strides = [1, 1, 1]} : vector<20x8x128xi1> to vector<1x8x128xi1>
      %squeeze3A_1067 = vector.shape_cast %slice3A_1066 : vector<1x8x128xi1> to vector<8x128xi1>
      %slice3A_1068 = vector.extract_strided_slice %get3A_14 {offsets = [16, 0, 0], sizes = [1, 8, 128], strides = [1, 1, 1]} : vector<20x8x128xf32> to vector<1x8x128xf32>
      %squeeze3A_1069 = vector.shape_cast %slice3A_1068 : vector<1x8x128xf32> to vector<8x128xf32>
      %jit3A_1070 = arith.constant 0xFF800000 : f32
      %broadcast_in_dim3A_1071 = vector.broadcast %jit3A_1070 : f32 to vector<8x128xf32>
      %select_n3A_1072 = arith.select %squeeze3A_1067, %squeeze3A_1069, %broadcast_in_dim3A_1071 : vector<8x128xi1>, vector<8x128xf32>
      %slice3A_1073 = vector.extract_strided_slice %eq3A_458 {offsets = [17, 0, 0], sizes = [1, 8, 128], strides = [1, 1, 1]} : vector<20x8x128xi1> to vector<1x8x128xi1>
      %squeeze3A_1074 = vector.shape_cast %slice3A_1073 : vector<1x8x128xi1> to vector<8x128xi1>
      %slice3A_1075 = vector.extract_strided_slice %get3A_14 {offsets = [17, 0, 0], sizes = [1, 8, 128], strides = [1, 1, 1]} : vector<20x8x128xf32> to vector<1x8x128xf32>
      %squeeze3A_1076 = vector.shape_cast %slice3A_1075 : vector<1x8x128xf32> to vector<8x128xf32>
      %jit3A_1077 = arith.constant 0xFF800000 : f32
      %broadcast_in_dim3A_1078 = vector.broadcast %jit3A_1077 : f32 to vector<8x128xf32>
      %select_n3A_1079 = arith.select %squeeze3A_1074, %squeeze3A_1076, %broadcast_in_dim3A_1078 : vector<8x128xi1>, vector<8x128xf32>
      %slice3A_1080 = vector.extract_strided_slice %eq3A_458 {offsets = [18, 0, 0], sizes = [1, 8, 128], strides = [1, 1, 1]} : vector<20x8x128xi1> to vector<1x8x128xi1>
      %squeeze3A_1081 = vector.shape_cast %slice3A_1080 : vector<1x8x128xi1> to vector<8x128xi1>
      %slice3A_1082 = vector.extract_strided_slice %get3A_14 {offsets = [18, 0, 0], sizes = [1, 8, 128], strides = [1, 1, 1]} : vector<20x8x128xf32> to vector<1x8x128xf32>
      %squeeze3A_1083 = vector.shape_cast %slice3A_1082 : vector<1x8x128xf32> to vector<8x128xf32>
      %jit3A_1084 = arith.constant 0xFF800000 : f32
      %broadcast_in_dim3A_1085 = vector.broadcast %jit3A_1084 : f32 to vector<8x128xf32>
      %select_n3A_1086 = arith.select %squeeze3A_1081, %squeeze3A_1083, %broadcast_in_dim3A_1085 : vector<8x128xi1>, vector<8x128xf32>
      %slice3A_1087 = vector.extract_strided_slice %eq3A_458 {offsets = [19, 0, 0], sizes = [1, 8, 128], strides = [1, 1, 1]} : vector<20x8x128xi1> to vector<1x8x128xi1>
      %squeeze3A_1088 = vector.shape_cast %slice3A_1087 : vector<1x8x128xi1> to vector<8x128xi1>
      %slice3A_1089 = vector.extract_strided_slice %get3A_14 {offsets = [19, 0, 0], sizes = [1, 8, 128], strides = [1, 1, 1]} : vector<20x8x128xf32> to vector<1x8x128xf32>
      %squeeze3A_1090 = vector.shape_cast %slice3A_1089 : vector<1x8x128xf32> to vector<8x128xf32>
      %jit3A_1091 = arith.constant 0xFF800000 : f32
      %broadcast_in_dim3A_1092 = vector.broadcast %jit3A_1091 : f32 to vector<8x128xf32>
      %select_n3A_1093 = arith.select %squeeze3A_1088, %squeeze3A_1090, %broadcast_in_dim3A_1092 : vector<8x128xi1>, vector<8x128xf32>
      %max3A_1094 = arith.maximumf %select_n3A_960, %select_n3A_967 : vector<8x128xf32>
      %max3A_1095 = arith.maximumf %select_n3A_974, %select_n3A_981 : vector<8x128xf32>
      %max3A_1096 = arith.maximumf %select_n3A_988, %select_n3A_995 : vector<8x128xf32>
      %max3A_1097 = arith.maximumf %select_n3A_1002, %select_n3A_1009 : vector<8x128xf32>
      %max3A_1098 = arith.maximumf %select_n3A_1016, %select_n3A_1023 : vector<8x128xf32>
      %max3A_1099 = arith.maximumf %select_n3A_1030, %select_n3A_1037 : vector<8x128xf32>
      %max3A_1100 = arith.maximumf %select_n3A_1044, %select_n3A_1051 : vector<8x128xf32>
      %max3A_1101 = arith.maximumf %select_n3A_1058, %select_n3A_1065 : vector<8x128xf32>
      %max3A_1102 = arith.maximumf %select_n3A_1072, %select_n3A_1079 : vector<8x128xf32>
      %max3A_1103 = arith.maximumf %select_n3A_1086, %select_n3A_1093 : vector<8x128xf32>
      %max3A_1104 = arith.maximumf %max3A_1094, %max3A_1095 : vector<8x128xf32>
      %max3A_1105 = arith.maximumf %max3A_1096, %max3A_1097 : vector<8x128xf32>
      %max3A_1106 = arith.maximumf %max3A_1098, %max3A_1099 : vector<8x128xf32>
      %max3A_1107 = arith.maximumf %max3A_1100, %max3A_1101 : vector<8x128xf32>
      %max3A_1108 = arith.maximumf %max3A_1102, %max3A_1103 : vector<8x128xf32>
      %max3A_1109 = arith.maximumf %max3A_1104, %max3A_1105 : vector<8x128xf32>
      %max3A_1110 = arith.maximumf %max3A_1106, %max3A_1107 : vector<8x128xf32>
      %max3A_1111 = arith.maximumf %max3A_1109, %max3A_1110 : vector<8x128xf32>
      %max3A_1112 = arith.maximumf %max3A_1111, %max3A_1108 : vector<8x128xf32>
      %roll3A_1113 = arith.constant 4 : i32
      %roll3A_1114 = tpu.dynamic_rotate %max3A_1112 by %roll3A_1113 dim 0 : vector<8x128xf32>, i32 -> vector<8x128xf32>
      %max3A_1115 = arith.maximumf %max3A_1112, %roll3A_1114 : vector<8x128xf32>
      %reduce_max3A_1116 = arith.constant dense<0xFF800000> : vector<8xf32>
      %reduce_max3A_1117 = vector.multi_reduction <maximumf>, %max3A_1115, %reduce_max3A_1116 [1] : vector<8x128xf32> to vector<8xf32>
      %broadcast_in_dim3A_1118 = vector.shape_cast %reduce_max3A_1117 : vector<8xf32> to vector<8x1xf32>
      %sub3A_1119 = arith.subf %broadcast_in_dim3A_953, %broadcast_in_dim3A_623 : vector<8x1xf32>
      %sub3A_1120 = arith.subf %broadcast_in_dim3A_1118, %broadcast_in_dim3A_788 : vector<8x1xf32>
      %mul3A_1121 = arith.mulf %sub3A_1119, %sub3A_1120 : vector<8x1xf32>
      %broadcast_in_dim3A_1122 = vector.shape_cast %broadcast_in_dim3A_623 : vector<8x1xf32> to vector<1x8x1xf32>
      %max3A_1123 = vector.broadcast %broadcast_in_dim3A_1122 : vector<1x8x1xf32> to vector<20x8x128xf32>
      %max3A_1124 = arith.maximumf %max3A_1123, %get3A_2 : vector<20x8x128xf32>
      %broadcast_in_dim3A_1125 = vector.shape_cast %broadcast_in_dim3A_788 : vector<8x1xf32> to vector<1x8x1xf32>
      %max3A_1126 = vector.broadcast %broadcast_in_dim3A_1125 : vector<1x8x1xf32> to vector<20x8x128xf32>
      %max3A_1127 = arith.maximumf %max3A_1126, %get3A_6 : vector<20x8x128xf32>
      %broadcast_in_dim3A_1128 = vector.shape_cast %broadcast_in_dim3A_953 : vector<8x1xf32> to vector<1x8x1xf32>
      %min3A_1129 = vector.broadcast %broadcast_in_dim3A_1128 : vector<1x8x1xf32> to vector<20x8x128xf32>
      %min3A_1130 = arith.minimumf %min3A_1129, %get3A_10 : vector<20x8x128xf32>
      %broadcast_in_dim3A_1131 = vector.shape_cast %broadcast_in_dim3A_1118 : vector<8x1xf32> to vector<1x8x1xf32>
      %min3A_1132 = vector.broadcast %broadcast_in_dim3A_1131 : vector<1x8x1xf32> to vector<20x8x128xf32>
      %min3A_1133 = arith.minimumf %min3A_1132, %get3A_14 : vector<20x8x128xf32>
      %sub3A_1134 = arith.subf %min3A_1130, %max3A_1124 : vector<20x8x128xf32>
      %max3A_1135 = arith.constant 0.000000e+00 : f32
      %max3A_1136 = vector.broadcast %max3A_1135 : f32 to vector<20x8x128xf32>
      %max3A_1137 = arith.maximumf %sub3A_1134, %max3A_1136 : vector<20x8x128xf32>
      %sub3A_1138 = arith.subf %min3A_1133, %max3A_1127 : vector<20x8x128xf32>
      %max3A_1139 = arith.constant 0.000000e+00 : f32
      %max3A_1140 = vector.broadcast %max3A_1139 : f32 to vector<20x8x128xf32>
      %max3A_1141 = arith.maximumf %sub3A_1138, %max3A_1140 : vector<20x8x128xf32>
      %mul3A_1142 = arith.mulf %max3A_1137, %max3A_1141 : vector<20x8x128xf32>
      %broadcast_in_dim3A_1143 = vector.shape_cast %mul3A_1121 : vector<8x1xf32> to vector<1x8x1xf32>
      %add3A_1144 = vector.broadcast %broadcast_in_dim3A_1143 : vector<1x8x1xf32> to vector<20x8x128xf32>
      %add3A_1145 = arith.addf %add3A_1144, %mul3A_52 : vector<20x8x128xf32>
      %sub3A_1146 = arith.subf %add3A_1145, %mul3A_1142 : vector<20x8x128xf32>
      %max3A_1147 = arith.constant 9.99999993E-9 : f32
      %max3A_1148 = vector.broadcast %max3A_1147 : f32 to vector<20x8x128xf32>
      %max3A_1149 = arith.maximumf %sub3A_1146, %max3A_1148 : vector<20x8x128xf32>
      %div3A_1150 = arith.divf %mul3A_1142, %max3A_1149 : vector<20x8x128xf32>
      %gt3A_1151 = arith.constant 8.500000e-01 : f32
      %gt3A_1152 = vector.broadcast %gt3A_1151 : f32 to vector<20x8x128xf32>
      %gt3A_1153 = arith.cmpf ogt, %div3A_1150, %gt3A_1152 : vector<20x8x128xf32>
      %or3A = arith.ori %gt3A_1153, %eq3A_458 : vector<20x8x128xi1>
      %broadcast_in_dim3A_1154 = vector.shape_cast %gt3A_455 : vector<8x1xi1> to vector<1x8x1xi1>
      %and3A_1155 = vector.broadcast %broadcast_in_dim3A_1154 : vector<1x8x1xi1> to vector<20x8x128xi1>
      %and3A_1156 = arith.andi %and3A_1155, %or3A : vector<20x8x128xi1>
      %jit3A_1157 = arith.constant 0.000000e+00 : f32
      %broadcast_in_dim3A_1158 = vector.broadcast %jit3A_1157 : f32 to vector<20x8x128xf32>
      %select_n3A_1159 = arith.select %and3A_1156, %broadcast_in_dim3A_1158, %scan3A_185 : vector<20x8x128xi1>, vector<20x8x128xf32>
      scf.yield %select_n3A_1159, %broadcast_in_dim3A_452, %broadcast_in_dim3A_383 : vector<20x8x128xf32>, vector<8x1xi32>, vector<8x1xf32>
    }
    %scan3A_64 = arith.constant 512 : i32
    %slice3A = vector.extract_strided_slice %scan3A_63#2 {offsets = [0, 0], sizes = [1, 1], strides = [1, 1]} : vector<8x1xf32> to vector<1x1xf32>
    %squeeze3A = vector.extract %slice3A[0, 0] : f32 from vector<1x1xf32>
    %gt3A = arith.constant 0xFF800000 : f32
    %gt3A_65 = arith.cmpf ogt, %squeeze3A, %gt3A : f32
    %slice3A_66 = vector.extract_strided_slice %scan3A_63#1 {offsets = [0, 0], sizes = [1, 1], strides = [1, 1]} : vector<8x1xi32> to vector<1x1xi32>
    %squeeze3A_67 = vector.extract %slice3A_66[0, 0] : i32 from vector<1x1xi32>
    %jit3A_68 = arith.constant 0 : i32
    %select_n3A_69 = arith.select %gt3A_65, %squeeze3A_67, %jit3A_68 : i32
    %convert_element_type3A_70 = arith.extui %gt3A_65 : i1 to i32
    %convert_element_type3A_71 = arith.sitofp %convert_element_type3A_70 : i32 to f32
    %get3A_72 = arith.constant 0 : index
    %get3A_73 = arith.index_cast %select_n3A_69 : i32 to index
    %get3A_74 = arith.constant 0 : index
    %get3A_75 = vector.load %arg5[%get3A_72, %get3A_73, %get3A_74] : memref<4x5120x8xf32, #tpu.memory_space<vmem>>, vector<1x1x8xf32>
    %get3A_76 = vector.shape_cast %get3A_75 : vector<1x1x8xf32> to vector<1x8xf32>
    %eq3A = arith.constant 7 : i32
    %eq3A_77 = vector.broadcast %eq3A : i32 to vector<1x8xi32>
    %eq3A_78 = arith.cmpi eq, %iota3A_53, %eq3A_77 : vector<1x8xi32>
    %jit3A_79 = arith.constant 0.000000e+00 : f32
    %broadcast_in_dim3A_80 = vector.broadcast %squeeze3A : f32 to vector<1x8xf32>
    %broadcast_in_dim3A_81 = vector.broadcast %jit3A_79 : f32 to vector<1x8xf32>
    %select_n3A_82 = arith.select %eq3A_78, %broadcast_in_dim3A_80, %broadcast_in_dim3A_81 : vector<1x8xi1>, vector<1x8xf32>
    %add3A_83 = arith.addf %get3A_76, %select_n3A_82 : vector<1x8xf32>
    %mul3A_84 = vector.broadcast %convert_element_type3A_71 : f32 to vector<1x8xf32>
    %mul3A_85 = arith.mulf %add3A_83, %mul3A_84 : vector<1x8xf32>
    %swap3A = arith.constant 0 : index
    %swap3A_86 = arith.constant 511 : index
    %swap3A_87 = arith.constant 0 : index
    %swap3A_88 = vector.load %arg6[%swap3A, %swap3A_86, %swap3A_87] : memref<4x512x8xf32, #tpu.memory_space<vmem>>, vector<1x1x8xf32>
    %swap3A_89 = vector.shape_cast %swap3A_88 : vector<1x1x8xf32> to vector<1x8xf32>
    %swap3A_90 = vector.shape_cast %mul3A_85 : vector<1x8xf32> to vector<1x1x8xf32>
    tpu.vector_store %arg6[%swap3A, %swap3A_86, %swap3A_87], %swap3A_90 {strides = array<i32>} : memref<4x512x8xf32, #tpu.memory_space<vmem>>, vector<1x1x8xf32>,
    %slice3A_91 = vector.extract_strided_slice %scan3A_63#2 {offsets = [1, 0], sizes = [1, 1], strides = [1, 1]} : vector<8x1xf32> to vector<1x1xf32>
    %squeeze3A_92 = vector.extract %slice3A_91[0, 0] : f32 from vector<1x1xf32>
    %gt3A_93 = arith.constant 0xFF800000 : f32
    %gt3A_94 = arith.cmpf ogt, %squeeze3A_92, %gt3A_93 : f32
    %slice3A_95 = vector.extract_strided_slice %scan3A_63#1 {offsets = [1, 0], sizes = [1, 1], strides = [1, 1]} : vector<8x1xi32> to vector<1x1xi32>
    %squeeze3A_96 = vector.extract %slice3A_95[0, 0] : i32 from vector<1x1xi32>
    %jit3A_97 = arith.constant 0 : i32
    %select_n3A_98 = arith.select %gt3A_94, %squeeze3A_96, %jit3A_97 : i32
    %convert_element_type3A_99 = arith.extui %gt3A_94 : i1 to i32
    %convert_element_type3A_100 = arith.sitofp %convert_element_type3A_99 : i32 to f32
    %get3A_101 = arith.constant 1 : index
    %get3A_102 = arith.index_cast %select_n3A_98 : i32 to index
    %get3A_103 = arith.constant 0 : index
    %get3A_104 = vector.load %arg5[%get3A_101, %get3A_102, %get3A_103] : memref<4x5120x8xf32, #tpu.memory_space<vmem>>, vector<1x1x8xf32>
    %get3A_105 = vector.shape_cast %get3A_104 : vector<1x1x8xf32> to vector<1x8xf32>
    %eq3A_106 = arith.constant 7 : i32
    %eq3A_107 = vector.broadcast %eq3A_106 : i32 to vector<1x8xi32>
    %eq3A_108 = arith.cmpi eq, %iota3A_53, %eq3A_107 : vector<1x8xi32>
    %jit3A_109 = arith.constant 0.000000e+00 : f32
    %broadcast_in_dim3A_110 = vector.broadcast %squeeze3A_92 : f32 to vector<1x8xf32>
    %broadcast_in_dim3A_111 = vector.broadcast %jit3A_109 : f32 to vector<1x8xf32>
    %select_n3A_112 = arith.select %eq3A_108, %broadcast_in_dim3A_110, %broadcast_in_dim3A_111 : vector<1x8xi1>, vector<1x8xf32>
    %add3A_113 = arith.addf %get3A_105, %select_n3A_112 : vector<1x8xf32>
    %mul3A_114 = vector.broadcast %convert_element_type3A_100 : f32 to vector<1x8xf32>
    %mul3A_115 = arith.mulf %add3A_113, %mul3A_114 : vector<1x8xf32>
    %swap3A_116 = arith.constant 1 : index
    %swap3A_117 = arith.constant 511 : index
    %swap3A_118 = arith.constant 0 : index
    %swap3A_119 = vector.load %arg6[%swap3A_116, %swap3A_117, %swap3A_118] : memref<4x512x8xf32, #tpu.memory_space<vmem>>, vector<1x1x8xf32>
    %swap3A_120 = vector.shape_cast %swap3A_119 : vector<1x1x8xf32> to vector<1x8xf32>
    %swap3A_121 = vector.shape_cast %mul3A_115 : vector<1x8xf32> to vector<1x1x8xf32>
    tpu.vector_store %arg6[%swap3A_116, %swap3A_117, %swap3A_118], %swap3A_121 {strides = array<i32>} : memref<4x512x8xf32, #tpu.memory_space<vmem>>, vector<1x1x8xf32>,
    %slice3A_122 = vector.extract_strided_slice %scan3A_63#2 {offsets = [2, 0], sizes = [1, 1], strides = [1, 1]} : vector<8x1xf32> to vector<1x1xf32>
    %squeeze3A_123 = vector.extract %slice3A_122[0, 0] : f32 from vector<1x1xf32>
    %gt3A_124 = arith.constant 0xFF800000 : f32
    %gt3A_125 = arith.cmpf ogt, %squeeze3A_123, %gt3A_124 : f32
    %slice3A_126 = vector.extract_strided_slice %scan3A_63#1 {offsets = [2, 0], sizes = [1, 1], strides = [1, 1]} : vector<8x1xi32> to vector<1x1xi32>
    %squeeze3A_127 = vector.extract %slice3A_126[0, 0] : i32 from vector<1x1xi32>
    %jit3A_128 = arith.constant 0 : i32
    %select_n3A_129 = arith.select %gt3A_125, %squeeze3A_127, %jit3A_128 : i32
    %convert_element_type3A_130 = arith.extui %gt3A_125 : i1 to i32
    %convert_element_type3A_131 = arith.sitofp %convert_element_type3A_130 : i32 to f32
    %get3A_132 = arith.constant 2 : index
    %get3A_133 = arith.index_cast %select_n3A_129 : i32 to index
    %get3A_134 = arith.constant 0 : index
    %get3A_135 = vector.load %arg5[%get3A_132, %get3A_133, %get3A_134] : memref<4x5120x8xf32, #tpu.memory_space<vmem>>, vector<1x1x8xf32>
    %get3A_136 = vector.shape_cast %get3A_135 : vector<1x1x8xf32> to vector<1x8xf32>
    %eq3A_137 = arith.constant 7 : i32
    %eq3A_138 = vector.broadcast %eq3A_137 : i32 to vector<1x8xi32>
    %eq3A_139 = arith.cmpi eq, %iota3A_53, %eq3A_138 : vector<1x8xi32>
    %jit3A_140 = arith.constant 0.000000e+00 : f32
    %broadcast_in_dim3A_141 = vector.broadcast %squeeze3A_123 : f32 to vector<1x8xf32>
    %broadcast_in_dim3A_142 = vector.broadcast %jit3A_140 : f32 to vector<1x8xf32>
    %select_n3A_143 = arith.select %eq3A_139, %broadcast_in_dim3A_141, %broadcast_in_dim3A_142 : vector<1x8xi1>, vector<1x8xf32>
    %add3A_144 = arith.addf %get3A_136, %select_n3A_143 : vector<1x8xf32>
    %mul3A_145 = vector.broadcast %convert_element_type3A_131 : f32 to vector<1x8xf32>
    %mul3A_146 = arith.mulf %add3A_144, %mul3A_145 : vector<1x8xf32>
    %swap3A_147 = arith.constant 2 : index
    %swap3A_148 = arith.constant 511 : index
    %swap3A_149 = arith.constant 0 : index
    %swap3A_150 = vector.load %arg6[%swap3A_147, %swap3A_148, %swap3A_149] : memref<4x512x8xf32, #tpu.memory_space<vmem>>, vector<1x1x8xf32>
    %swap3A_151 = vector.shape_cast %swap3A_150 : vector<1x1x8xf32> to vector<1x8xf32>
    %swap3A_152 = vector.shape_cast %mul3A_146 : vector<1x8xf32> to vector<1x1x8xf32>
    tpu.vector_store %arg6[%swap3A_147, %swap3A_148, %swap3A_149], %swap3A_152 {strides = array<i32>} : memref<4x512x8xf32, #tpu.memory_space<vmem>>, vector<1x1x8xf32>,
    %slice3A_153 = vector.extract_strided_slice %scan3A_63#2 {offsets = [3, 0], sizes = [1, 1], strides = [1, 1]} : vector<8x1xf32> to vector<1x1xf32>
    %squeeze3A_154 = vector.extract %slice3A_153[0, 0] : f32 from vector<1x1xf32>
    %gt3A_155 = arith.constant 0xFF800000 : f32
    %gt3A_156 = arith.cmpf ogt, %squeeze3A_154, %gt3A_155 : f32
    %slice3A_157 = vector.extract_strided_slice %scan3A_63#1 {offsets = [3, 0], sizes = [1, 1], strides = [1, 1]} : vector<8x1xi32> to vector<1x1xi32>
    %squeeze3A_158 = vector.extract %slice3A_157[0, 0] : i32 from vector<1x1xi32>
    %jit3A_159 = arith.constant 0 : i32
    %select_n3A_160 = arith.select %gt3A_156, %squeeze3A_158, %jit3A_159 : i32
    %convert_element_type3A_161 = arith.extui %gt3A_156 : i1 to i32
    %convert_element_type3A_162 = arith.sitofp %convert_element_type3A_161 : i32 to f32
    %get3A_163 = arith.constant 3 : index
    %get3A_164 = arith.index_cast %select_n3A_160 : i32 to index
    %get3A_165 = arith.constant 0 : index
    %get3A_166 = vector.load %arg5[%get3A_163, %get3A_164, %get3A_165] : memref<4x5120x8xf32, #tpu.memory_space<vmem>>, vector<1x1x8xf32>
    %get3A_167 = vector.shape_cast %get3A_166 : vector<1x1x8xf32> to vector<1x8xf32>
    %eq3A_168 = arith.constant 7 : i32
    %eq3A_169 = vector.broadcast %eq3A_168 : i32 to vector<1x8xi32>
    %eq3A_170 = arith.cmpi eq, %iota3A_53, %eq3A_169 : vector<1x8xi32>
    %jit3A_171 = arith.constant 0.000000e+00 : f32
    %broadcast_in_dim3A_172 = vector.broadcast %squeeze3A_154 : f32 to vector<1x8xf32>
    %broadcast_in_dim3A_173 = vector.broadcast %jit3A_171 : f32 to vector<1x8xf32>
    %select_n3A_174 = arith.select %eq3A_170, %broadcast_in_dim3A_172, %broadcast_in_dim3A_173 : vector<1x8xi1>, vector<1x8xf32>
    %add3A_175 = arith.addf %get3A_167, %select_n3A_174 : vector<1x8xf32>
    %mul3A_176 = vector.broadcast %convert_element_type3A_162 : f32 to vector<1x8xf32>
    %mul3A_177 = arith.mulf %add3A_175, %mul3A_176 : vector<1x8xf32>
    %swap3A_178 = arith.constant 3 : index
    %swap3A_179 = arith.constant 511 : index
    %swap3A_180 = arith.constant 0 : index
    %swap3A_181 = vector.load %arg6[%swap3A_178, %swap3A_179, %swap3A_180] : memref<4x512x8xf32, #tpu.memory_space<vmem>>, vector<1x1x8xf32>
    %swap3A_182 = vector.shape_cast %swap3A_181 : vector<1x1x8xf32> to vector<1x8xf32>
    %swap3A_183 = vector.shape_cast %mul3A_177 : vector<1x8xf32> to vector<1x1x8xf32>
    tpu.vector_store %arg6[%swap3A_178, %swap3A_179, %swap3A_180], %swap3A_183 {strides = array<i32>} : memref<4x512x8xf32, #tpu.memory_space<vmem>>, vector<1x1x8xf32>,
    return
  }
}

</mosaic_0001>

<sc_bundles>
// kernel: kernel.4.cloned.1.call-start
scs
__scs_entry_jumppad:
0x0: {  	(pc) =	sbr.rel $0x88, $3  }
0x1: {  	(tag) =	ssettag $0x0;
	lr =	simm.s32 $0x1  }
0x2: {  	[smem:$0x3F9E] =	sst lr;
	_ =	strace $0xD0000000  }
0x3: {  	_ = 	snop  }
0x4: {  	_ = 	snop  }
0x5: {  	_ = 	snop  }
0x6: {  	_ = 	snop  }
0x7: {  	_ = 	snop  }
__scs_overlays_trampoline_lowered:
0x8: {  	[smem:$0x3FAD] =	sst s0  }
0x9: {  	[smem:$0x3FAE] =	sst s1  }
0xa: {  	[smem:$0x3FAF] =	sst s2  }
0xb: {  	[smem:$0x3FB0] =	sst s3  }
0xc: {  	[smem:$0x3FB1] =	sst s4  }
0xd: {  	[smem:$0x3FB2] =	sst s5  }
0xe: {  	[smem:$0x3FB3] =	sst s6  }
0xf: {  	[smem:$0x3FB4] =	sst s7  }
0x10: {  	[smem:$0x3FB5] =	sst s8  }
0x11: {  	[smem:$0x3FB6] =	sst s9;
	s0 =	simm.s32 @!p0 $0x0  }
0x12: {  	s1 =	sld [smem:$0x3F9C];
	s0 =	simm.s32 @p0 $0x1  }
0x13: {  	[smem:$0x3FB7] =	sst s0;
	s0 =	simm.s32 @!p1 $0x0  }
0x14: {  	s2 =	sld [smem:$0x3F9B];
	s0 =	simm.s32 @p1 $0x1  }
0x15: {  	[smem:$0x3FB8] =	sst s0;
	s0 =	simm.s32 @!p2 $0x0  }
0x16: {  	s3 =	sld [smem:$0x3FDB];
	s0 =	simm.s32 @p2 $0x1  }
0x17: {  	s4 =	simm.s32 $0x1BF5;
	[smem:$0x3FBA] =	sst s0  }
0x18: {  	s0 =	sld [smem:$0x3F9D];
	_ =	swait.ge [sflag:s4], $0x0  }
0x19: {  	s7 =	sld [smem:$0x3F9E]  }
0x1a: {  	s8 =	sadd.s32 $0xFFFFE003, lr  }
0x1b: {  	s9 =	sadd.s32 $0xFFFFFEF7, lr;
	s5 =	simm.s32 $0xFFFFFFFF;
	p2 =	slt.u32 s8, $0xFFFFF086  }
0x1c: {  	p1 =	slt.u32 s9, $0xF7A;
	s5 =	simm.s32 @!p2 $0x0  }
0x1d: {  	s5 =	simm.s32 @p1 $0x1;
	p0 =	seq.s32 s7, s2  }
0x1e: {  	s7 =	smul.u32 @!p0 $0xF7A, s2;
	p2 =	seq.s32 @!p0 s5, $0x0  }
0x1f: {  	s9 =	smul.u32 $0xF7A, s1;
	s8 =	simm.s32 @!p0 $0x1BF5;
	p2 =	por !p2, p0  }
0x20: {  	[sflag:s8] =	ssyncset.s32 @!p0 $0xFFFFF086;
	s6 =	sadd.s32 @!p0 s3, s7;
	s7 =	simm.s32 @!p0 $0x108  }
0x21: {  	s3 =	sadd.s32 s3, s9;
	s6 =	sadd.s32 @!p0 $0x88, s6;
	s7 =	simm.s32 @p2 $0x1082  }
0x22: {  	[simem:s7], [sflag:s8] =	dma.local @!p0 [hbm:s6], $0xF7A  }
0x23: {  	s9 =	sor.u32 $0xD0000000, s2;
	s6 =	simm.s32 $0x108;
	_ =	swait.ge @!p0 [sflag:s8], $0x0  }
0x24: {  	s3 =	sadd.s32 $0x88, s3;
	s6 =	simm.s32 @!p1 $0x1082;
	[sflag:s4] =	ssyncset.s32 $0xFFFFF086  }
0x25: {  	[simem:s6], [sflag:s4] =	dma.local [hbm:s3], $0xF7A  }
0x26: {  	[smem:$0x3F9E] =	sst s1;
	(tag) =	ssettag s2;
	_ =	strace s9  }
0x27: {  	s1 =	sld [smem:$0x3FAE]  }
0x28: {  	s2 =	sld [smem:$0x3FAF]  }
0x29: {  	s4 =	sld [smem:$0x3FB1]  }
0x2a: {  	p0 =	seq.s32 s5, $0x0;
	s5 =	sld [smem:$0x3FB2]  }
0x2b: {  	s6 =	sld [smem:$0x3FB3]  }
0x2c: {  	s7 =	sld [smem:$0x3FB4]  }
0x2d: {  	s3 =	simm.s32 $0x108;
	s8 =	sld [smem:$0x3FB5]  }
0x2e: {  	s3 =	simm.s32 @!p0 $0x1082;
	s9 =	sld [smem:$0x3FB6]  }
0x2f: {  	lr =	sadd.s32 s0, s3;
	s0 =	sld [smem:$0x3FAD]  }
0x30: {  	s3 =	sld [smem:$0x3FB0]  }
0x31: {  	[smem:$0x3FB9] =	sst s10  }
0x32: {  	s10 =	sld [smem:$0x3FB7];
	_ =	sdelay $0x3  }
0x33: {  	p0 =	seq.s32 s10, $0x1;
	s10 =	sld [smem:$0x3FB9];
	_ =	sdelay $0x3  }
0x34: {  	[smem:$0x3FB9] =	sst s10  }
0x35: {  	s10 =	sld [smem:$0x3FB8];
	_ =	sdelay $0x3  }
0x36: {  	p1 =	seq.s32 s10, $0x1;
	s10 =	sld [smem:$0x3FB9];
	_ =	sdelay $0x3  }
0x37: {  	[smem:$0x3FB9] =	sst s10  }
0x38: {  	s10 =	sld [smem:$0x3FBA]  }
0x39: {  	_ = 	snop;
	(pc) =	sbr.ind lr, $3  }
0x3a: {  	_ = 	snop  }
0x3b: {  	_ = 	snop  }
0x3c: {  	p2 =	seq.s32 s10, $0x1;
	s10 =	sld [smem:$0x3FB9]  }
0x3d: {  	_ =	shalt  }
0x3e: {  	_ =	shalt  }
0x3f: {  	_ =	shalt  }
0x40: {  	_ =	shalt  }
0x41: {  	_ =	shalt  }
0x42: {  	_ =	shalt  }
0x43: {  	_ =	shalt  }
0x44: {  	_ =	shalt  }
0x45: {  	_ =	shalt  }
0x46: {  	_ =	shalt  }
0x47: {  	_ =	shalt  }
0x48: {  	_ =	shalt  }
0x49: {  	_ =	shalt  }
0x4a: {  	_ =	shalt  }
0x4b: {  	_ =	shalt  }
0x4c: {  	_ =	shalt  }
0x4d: {  	_ =	shalt  }
0x4e: {  	_ =	shalt  }
0x4f: {  	_ =	shalt  }
0x50: {  	_ =	shalt  }
0x51: {  	_ =	shalt  }
0x52: {  	_ =	shalt  }
0x53: {  	_ =	shalt  }
0x54: {  	_ =	shalt  }
0x55: {  	_ =	shalt  }
0x56: {  	_ =	shalt  }
0x57: {  	_ =	shalt  }
0x58: {  	_ =	shalt  }
0x59: {  	_ =	shalt  }
0x5a: {  	_ =	shalt  }
0x5b: {  	_ =	shalt  }
0x5c: {  	_ =	shalt  }
0x5d: {  	_ =	shalt  }
0x5e: {  	_ =	shalt  }
0x5f: {  	_ =	shalt  }
0x60: {  	_ =	shalt  }
0x61: {  	_ =	shalt  }
0x62: {  	_ =	shalt  }
0x63: {  	_ =	shalt  }
0x64: {  	_ =	shalt  }
0x65: {  	_ =	shalt  }
0x66: {  	_ =	shalt  }
0x67: {  	_ =	shalt  }
0x68: {  	_ =	shalt  }
0x69: {  	_ =	shalt  }
0x6a: {  	_ =	shalt  }
0x6b: {  	_ =	shalt  }
0x6c: {  	_ =	shalt  }
0x6d: {  	_ =	shalt  }
0x6e: {  	_ =	shalt  }
0x6f: {  	_ =	shalt  }
0x70: {  	_ =	shalt  }
0x71: {  	_ =	shalt  }
0x72: {  	_ =	shalt  }
0x73: {  	_ =	shalt  }
0x74: {  	_ =	shalt  }
0x75: {  	_ =	shalt  }
0x76: {  	_ =	shalt  }
0x77: {  	_ =	shalt  }
0x78: {  	_ =	shalt  }
0x79: {  	_ =	shalt  }
0x7a: {  	_ =	shalt  }
0x7b: {  	_ =	shalt  }
0x7c: {  	_ =	shalt  }
0x7d: {  	_ =	shalt  }
0x7e: {  	_ =	shalt  }
0x7f: {  	_ =	shalt  }
0x80: {  	_ =	shalt  }
0x81: {  	_ =	shalt  }
0x82: {  	_ =	shalt  }
0x83: {  	_ =	shalt  }
0x84: {  	_ =	shalt  }
0x85: {  	_ =	shalt  }
0x86: {  	_ =	shalt  }
0x87: {  	_ =	shalt  }
.Lfunc_end0:
.L_simem_size_0:
called_computation_lowered:
.L_overlay_start_0:
0x88: {  	s2 =	sld [smem:$0x3FD9]  }
0x89: {  	s3 =	sld [smem:$0x3FFE];
	_ =	sdelay $0x1  }
0x8a: {  	s1 =	srdreg.scid  }
0x8b: {  	s0 =	sand.u32 $0x1, s1  }
0x8c: {  	s16 =	sshll.u32 s0, $0xA;
	s2 =	sadd.s32 s3, s2  }
0x8d: {  	s2 =	sadd.s32 s2, s16  }
0x8e: {  	[smem:$0x3FC5] =	sst s2  }
0x8f: {  	_ = 	snop  }
0x90: {  	(tm) =	ssettm $0x1  }
0x91: {  	s17 =	sld [smem:$0x3FFB];
	_ =	sdelay $0x3  }
0x92: {  	_ =	strace s17  }
0x93: {  	s2 =	sld [smem:$0x3FFC];
	_ =	sdelay $0x3  }
0x94: {  	_ =	strace s2  }
0x95: {  	s2 =	sld [smem:$0x3FFD];
	_ =	sdelay $0x3  }
0x96: {  	_ =	strace s2  }
0x97: {  	_ =	strace $0x8FFFFFFF  }
0x98: {  	s18 =	sld [smem:$0x3FDB];
	_ =	sdelay $0x1  }
0x99: {  	s19 =	simm.s32 $_scs_section_size  }
0x9a: {  	s4 =	simm.s32 $_size__tile_overlayer_lowered;
	s5 =	simm.s32 $_tile_overlayer_lowered  }
0x9b: {  	s22 =	simm.s32 $0x1BFF;
	s21 =	sshll.u32 s5, $0x1;
	s2 =	sadd.s32 s19, s18  }
0x9c: {  	s6 =	simm.s32 $0x0;
	s20 =	sshll.u32 s4, $0x1;
	s4 =	sadd.s32 s21, s2  }
0x9d: {  	[timem:s6], [sflag:s22] =	dma.local [hbm:s4], s20  }
0x9e: {  	_ =	swait.ge [sflag:s22], s20  }
0x9f: {  	s3 =	ssub.s32 $0x0, s20;
	[sflag:s22] =	ssyncset.done $0x0  }
0xa0: {  	[sflag:s22] =	ssyncadd.s32 s3;
	_ =	sdelay $0x1  }
0xa1: {  	s23 =	simm.s32 $0x1B8B  }
0xa2: {  	_ =	swait.ge [sflag:s23], $0x1  }
0xa3: {  	[sflag:s23] =	ssyncset.done $0x0  }
0xa4: {  	s25 =	simm.s32 $0x1B8E;
	s24 =	sld [smem:$0x3FFE];
	[sflag:s23] =	ssyncadd.s32 $0xFFFFFFFF  }
0xa5: {  	s26 =	simm.s32 $execute0_lowered;
	[smem:$0x3FD2] =	sst s25  }
0xa6: {  	s4 =	sshll.u32 s26, $0x1;
	_ =	strace $0x80000046;
	[dreg:$0x1] =	wrdreg $0xFFFFFFFF  }
0xa7: {  	s28 =	simm.s32 $_size_execute0_lowered;
	s2 =	sadd.s32 s2, s4;
	[dreg:$0x0] =	wrdreg $0x0  }
0xa8: {  	s4 =	sshll.u32 s28, $0x1;
	[dreg:$0x2] =	wrdreg s2  }
0xa9: {  	[dreg:$0x3] =	wrdreg s4  }
0xaa: {  	[dreg:$0x4] =	wrdreg $0xC0  }
0xab: {  	_ =	task [dreg:s6], $0x5FFFF  }
0xac: {  	[dreg:$0x1] =	wrdreg $0xFFFFFFFF  }
0xad: {  	[dreg:$0x0] =	wrdreg $0x60  }
0xae: {  	[dreg:$0x2] =	wrdreg s24  }
0xaf: {  	[dreg:$0x3] =	wrdreg $0x9  }
0xb0: {  	_ =	task.clear_ibuf [dreg:s6], $0x4FFFF;
	_ =	strace $0x90000046  }
0xb1: {  	s29 =	simm.s32 $0x9;
	_ =	strace $0x80000048  }
0xb2: {  	_ =	swait.ge [sflag:s29], $0x1  }
0xb3: {  	[sflag:s29] =	ssyncadd.s32 $0xFFFFFFFF  }
0xb4: {  	_ =	strace $0x90000048  }
0xb5: {  	_ =	sfence  }
0xb6: {  	s30 =	sld [smem:$0x0];
	_ =	sdelay $0x2  }
0xb7: {  	s31 =	sshll.u32 s1, $0xD;
	s1 =	sshrl.u32 s1, $0x2  }
0xb8: {  	s3 =	sand.u32 $0x4000, s31;
	s1 =	sadd.s32 s1, s30  }
0xb9: {  	s0 =	sor.u32 s3, s0;
	s1 =	sshll.u32 s1, $0x11  }
0xba: {  	s0 =	sor.u32 s1, s0  }
0xbb: {  	s0 =	sadd.s32 $0x8F2B, s0  }
0xbc: {  	[sflag:s0] =	ssyncadd.remote.s32 $0x1  }
0xbd: {  	_ =	sfence.sel $0xFFFF  }
0xbe: {  	[dreg:$0x0] =	wrdreg $0xFFFFFFFF;
	(pc) =	sbr.abs _section_cstart, $3  }
0xbf: {  	[dreg:$0x1] =	wrdreg $0xFFFFFFFF  }
0xc0: {  	_ =	task.clear_ibuf [dreg:s6], $0x2FFFF;
	_ =	strace $0x9FFFFFFF  }
0xc1: {  	(tm) =	ssettm $0x7FFFFFFF  }
tec
execute0_lowered:
.L_overlay_start_1:
0x0: {  	(tag) =	ssettag $0x1  }
0x1: {  	s3 =	rddreg [dreg:$0x0];
	s1 =	simm.s32 $0x0  }
0x2: {  	[smem:$0x7FF] =	sst s1  }
0x3: {  	s0 =	rddreg [dreg:$0x1];
	v0 =	vimm.f32 $6.283185480e+00;
	_ =	strace $0x80000047  }
0x4: {  	(erf) = vrcp.f32 v0;
	v0 =	vimm.f32 $2.000000000e+00  }
0x5: {  	s4 =	srdreg.scid;
	(erf) = vrcp.f32 v0  }
0x6: {  	s2 =	stileid.u32;
	s9 =	simm.s32 $0x80;
	s10 =	simm.s32 $0x400  }
0x7: {  	s4 =	sand.u32 $0x1, s4;
	s5 =	sshll.u32 s2, $0x1;
	s6 =	sshrl.u32 s2, $0x2  }
0x8: {  	s11 =	simm.s32 $0xD700;
	s5 =	sor.u32 s4, s5;
	s6 =	smul.u32 $0x14000, s6  }
0x9: {  	s12 =	simm.s32 $0x0;
	s7 =	sshll.u32 s5, $0x7;
	s8 =	smul.u32 $0x190, s5  }
0xa: {  	s4 =	ssub.s32 $0x2, s4;
	s5 =	smul.u32 $0x1950, s5;
	s7 =	sand.u32 $0x380, s7  }
0xb: {  	s31 =	sshrl.u32 s4, $0x1;
	s6 =	sor.u32 s6, s7;
	s30 =	sadd.s32 s8, s3  }
0xc: {  	s8 =	ssub.s32 s4, s31;
	s7 =	simm.s32 $0x1;
	s6 =	sshrl.u32 s6, $0x3  }
0xd: {  	s4 =	sadd.s32 $0x32A00, s30;
	s6 =	sadd.s32 s6, s3;
	s3 =	sadd.s32 s3, s5;
	v0 =	vpop (erf)  }
0xe: {  	v2 =	vlaneseq.u32;
	v3 =	vimm.s32 $0x0;
	v4 =	vimm.f32 $0.0e+00;
	s5 =	sadd.s32 $0x35C00, s6;
	s6 =	smax.u32 s8, $0x1;
	s8 =	simm.s32 $0xCA80;
	v1 =	vpop (erf)  }
.LBB2_1:
0xf: {  	[tilespmem:s1], [sflag:$0x1] =	stream.linear.gather [hbm4b:s3+s1], $0xCA80, $0x38;
	[tilespmem:$0xFF00] =	vst v63  }
0x10: {  	_ =	swait.ge [sflag:s7], $0xCA80  }
0x11: {  	[sflag:s7] =	ssyncset.done $0x0  }
0x12: {  	[sflag:s7] =	ssyncadd.s32 $0xFFFF3580  }
0x13: {  	[tilespmem:s8], [sflag:$0x1] =	stream.linear.gather [hbm4b:s4+s1], $0xC80, $0x38;
	[tilespmem:$0xFF00] =	vst v63  }
0x14: {  	_ =	swait.ge [sflag:s7], $0xC80  }
0x15: {  	[sflag:s7] =	ssyncset.done $0x0  }
0x16: {  	s13 =	simm.s32 $0xD700;
	s14 =	simm.s32 $0x0;
	[sflag:s7] =	ssyncadd.s32 $0xFFFFF380  }
.LBB2_2:
0x17: {  	v6 =	vor.u32 s14, v2  }
0x18: {  	v5 =	vmul.u32 $0x51, v6;
	_ =	sdelay $0x1  }
0x19: {  	v7 =	vadd.s32 $0x1, v5  }
0x1a: {  	v8 =	vadd.s32 $0x2, v5  }
0x1b: {  	v10 =	vadd.s32 $0x3, v5  }
0x1c: {  	v12 =	vadd.s32 $0x5, v5  }
0x1d: {  	v14 =	vadd.s32 $0x7, v5;
	v9 =	vld.idx.msk [tilespmem:v5+s1+$0x0], $0xffff  }
0x1e: {  	v15 =	vadd.s32 $0xC, v5;
	v7 =	vld.idx.msk [tilespmem:v7+s1+$0x0], $0xffff  }
0x1f: {  	v40 =	vadd.s32 $0x31, v5;
	v8 =	vld.idx.msk [tilespmem:v8+s1+$0x0], $0xffff  }
0x20: {  	v16 =	vadd.s32 $0x32, v5;
	v10 =	vld.idx.msk [tilespmem:v10+s1+$0x0], $0xffff  }
0x21: {  	v6 =	vmul.u32 $0x5, v6;
	v11 =	vadd.s32 $0x4, v5;
	v42 =	vadd.s32 $0xD, v5;
	v39 =	vld.idx.msk [tilespmem:v12+s1+$0x0], $0xffff  }
0x22: {  	v13 =	vadd.s32 $0x6, v5;
	v38 =	vadd.s32 $0x8, v5;
	v17 =	vadd.s32 $0x33, v5;
	v41 =	vld.idx.msk [tilespmem:v14+s1+$0x0], $0xffff  }
0x23: {  	v44 =	vadd.s32 $0xE, v5;
	v19 =	vadd.s32 $0x34, v5;
	v45 =	vadd.s32 $0xF, v5;
	v43 =	vld.idx.msk [tilespmem:v15+s1+$0x0], $0xffff  }
0x24: {  	v20 =	vadd.s32 $0x35, v5;
	v48 =	vadd.s32 $0x36, v5;
	v49 =	vadd.s32 $0x10, v5;
	v12 =	vld.idx.msk [tilespmem:v40+s1+$0x0], $0xffff  }
0x25: {  	v21 =	vadd.s32 $0x37, v5;
	v52 =	vadd.s32 $0x38, v5;
	v53 =	vadd.s32 $0x11, v5;
	v16 =	vld.idx.msk [tilespmem:v16+s1+$0x0], $0xffff  }
0x26: {  	v55 =	vadd.s32 $0x39, v5;
	v57 =	vadd.s32 $0x3A, v5;
	v58 =	vadd.s32 $0x12, v5;
	v14 =	vld.idx.msk [tilespmem:v42+s1+$0x0], $0xffff  }
0x27: {  	v61 =	vadd.s32 $0x3B, v5;
	v63 =	vadd.s32 $0x3C, v5;
	v24 =	vadd.s32 $0x13, v5;
	v46 =	vld.idx.msk [tilespmem:v17+s1+$0x0], $0xffff  }
0x28: {  	v26 =	vadd.s32 $0x9, v5;
	v28 =	vadd.s32 $0x14, v5;
	v29 =	vadd.s32 $0xA, v5;
	v37 =	vld.idx.msk [tilespmem:v11+s1+$0x0], $0xffff  }
0x29: {  	v31 =	vadd.s32 $0x15, v5;
	v33 =	vadd.s32 $0x16, v5;
	v15 =	vld.idx.msk [tilespmem:v44+s1+$0x0], $0xffff;
	vm0 =	vgt.f32 v7, v9  }
0x2a: {  	v35 =	vadd.s32 $0xB, v5;
	v19 =	vld.idx.msk [tilespmem:v19+s1+$0x0], $0xffff;
	vm14 =	vgt.f32 v16, v12;
	v7 =	vsel vm0, v7, v9  }
0x2b: {  	v11 =	vld.idx.msk [tilespmem:v38+s1+$0x0], $0xffff;
	v18 =	vsel vm0, $0x1, v3;
	v12 =	vsel vm14, v16, v12;
	vm0 =	vgt.f32 v14, v43  }
0x2c: {  	v51 =	vld.idx.msk [tilespmem:v20+s1+$0x0], $0xffff;
	v60 =	vsel vm14, $0x1, v3;
	vm1 =	vgt.f32 v8, v7;
	vm4 =	vgt.f32 v46, v12  }
0x2d: {  	v54 =	vld.idx.msk [tilespmem:v48+s1+$0x0], $0xffff;
	v9 =	vsel vm0, v14, v43;
	v38 =	vsel vm0, $0x1, v3;
	v7 =	vsel vm1, v8, v7  }
0x2e: {  	v18 =	vsel vm1, $0x2, v18;
	v8 =	vld.idx.msk [tilespmem:v45+s1+$0x0], $0xffff;
	v12 =	vsel vm4, v46, v12;
	vm2 =	vgt.f32 v10, v7  }
0x2f: {  	v13 =	vld.idx.msk [tilespmem:v13+s1+$0x0], $0xffff;
	vm1 =	vgt.f32 v15, v9;
	vm5 =	vgt.f32 v19, v12;
	v7 =	vsel vm2, v10, v7  }
0x30: {  	v9 =	vsel vm1, v15, v9;
	v10 =	vld.idx.msk [tilespmem:v49+s1+$0x0], $0xffff;
	v12 =	vsel vm5, v19, v12;
	vm3 =	vgt.f32 v37, v7  }
0x31: {  	v56 =	vld.idx.msk [tilespmem:v21+s1+$0x0], $0xffff;
	v18 =	vsel vm2, $0x3, v18;
	vm6 =	vgt.f32 v51, v12;
	v7 =	vsel vm3, v37, v7  }
0x32: {  	v59 =	vld.idx.msk [tilespmem:v52+s1+$0x0], $0xffff;
	v18 =	vsel vm3, $0x4, v18;
	v12 =	vsel vm6, v51, v12;
	v37 =	vadd.s32 $0x17, v5  }
0x33: {  	v14 =	vld.idx.msk [tilespmem:v53+s1+$0x0], $0xffff;
	vm10 =	vgt.f32 v39, v7;
	vm2 =	vgt.f32 v8, v9;
	vm7 =	vgt.f32 v54, v12  }
0x34: {  	v7 =	vsel vm10, v39, v7;
	v47 =	vsel vm10, $0x5, v18;
	v8 =	vsel vm2, v8, v9  }
0x35: {  	v12 =	vsel vm7, v54, v12;
	vm11 =	vgt.f32 v13, v7;
	vm3 =	vgt.f32 v10, v8  }
0x36: {  	vm15 =	vgt.f32 v56, v12;
	v7 =	vsel vm11, v13, v7;
	v17 =	vsel vm11, $0x6, v47  }
0x37: {  	v62 =	vld.idx.msk [tilespmem:v55+s1+$0x0], $0xffff;
	v8 =	vsel vm3, v10, v8;
	v12 =	vsel vm15, v56, v12;
	v13 =	vsel vm1, $0x2, v38  }
0x38: {  	v25 =	vld.idx.msk [tilespmem:v57+s1+$0x0], $0xffff;
	vm12 =	vgt.f32 v41, v7;
	vm9 =	vgt.f32 v59, v12;
	vm10 =	vgt.f32 v14, v8  }
0x39: {  	v9 =	vld.idx.msk [tilespmem:v58+s1+$0x0], $0xffff;
	v13 =	vsel vm2, $0x3, v13;
	v7 =	vsel vm12, v41, v7;
	v50 =	vsel vm12, $0x7, v17  }
0x3a: {  	v32 =	vld.idx.msk [tilespmem:v26+s1+$0x0], $0xffff;
	v17 =	vsel vm4, $0x2, v60;
	v12 =	vsel vm9, v59, v12;
	v8 =	vsel vm10, v14, v8  }
0x3b: {  	v10 =	vld.idx.msk [tilespmem:v24+s1+$0x0], $0xffff;
	v13 =	vsel vm3, $0x4, v13;
	vm13 =	vgt.f32 v11, v7;
	v17 =	vsel vm5, $0x3, v17  }
0x3c: {  	v27 =	vld.idx.msk [tilespmem:v61+s1+$0x0], $0xffff;
	vm11 =	vgt.f32 v62, v12;
	v13 =	vsel vm10, $0x5, v13;
	v7 =	vsel vm13, v11, v7  }
0x3d: {  	v14 =	vld.idx.msk [tilespmem:v29+s1+$0x0], $0xffff;
	v11 =	vsel vm13, $0x8, v50;
	v17 =	vsel vm6, $0x4, v17;
	v12 =	vsel vm11, v62, v12  }
0x3e: {  	vm13 =	vgt.f32 v9, v8;
	v17 =	vsel vm7, $0x5, v17;
	vm12 =	vgt.f32 v25, v12  }
0x3f: {  	v36 =	vld.idx.msk [tilespmem:v28+s1+$0x0], $0xffff;
	v8 =	vsel vm13, v9, v8;
	vm7 =	vgt.f32 v32, v7;
	v13 =	vsel vm13, $0x6, v13  }
0x40: {  	v30 =	vld.idx.msk [tilespmem:v63+s1+$0x0], $0xffff;
	v17 =	vsel vm15, $0x6, v17;
	v12 =	vsel vm12, v25, v12;
	vm6 =	vgt.f32 v10, v8  }
0x41: {  	v18 =	vld.idx.msk [tilespmem:v31+s1+$0x0], $0xffff;
	v7 =	vsel vm7, v32, v7;
	v11 =	vsel vm7, $0x9, v11;
	v17 =	vsel vm9, $0x7, v17  }
0x42: {  	v19 =	vld.idx.msk [tilespmem:v33+s1+$0x0], $0xffff;
	vm14 =	vgt.f32 v27, v12;
	v8 =	vsel vm6, v10, v8;
	vm9 =	vgt.f32 v14, v7  }
0x43: {  	v13 =	vsel vm6, $0x7, v13;
	v17 =	vsel vm11, $0x8, v17;
	v34 =	vsel vm14, v27, v12;
	v12 =	vld.idx.msk [tilespmem:v35+s1+$0x0], $0xffff  }
0x44: {  	vm8 =	vgt.f32 v36, v8;
	v7 =	vsel vm9, v14, v7;
	v17 =	vsel vm12, $0x9, v17  }
0x45: {  	v9 =	vld.idx.msk [tilespmem:v37+s1+$0x0], $0xffff;
	vm15 =	vgt.f32 v30, v34;
	v8 =	vsel vm8, v36, v8;
	v17 =	vsel vm14, $0xA, v17  }
0x46: {  	v11 =	vsel vm9, $0xA, v11;
	vm10 =	vgt.f32 v18, v8;
	v17 =	vsel vm15, $0xB, v17  }
0x47: {  	v13 =	vsel vm8, $0x8, v13;
	v8 =	vsel vm10, v18, v8;
	v39 =	vadd.s32 v17, v5  }
0x48: {  	vm11 =	vgt.f32 v19, v8;
	v10 =	vadd.s32 $0x3D, v39;
	vm12 =	vgt.f32 v12, v7  }
0x49: {  	v13 =	vsel vm10, $0x9, v13;
	v7 =	vsel vm11, v19, v8;
	v40 =	vsel vm12, $0xB, v11  }
0x4a: {  	v41 =	vsel vm11, $0xA, v13;
	vm13 =	vgt.f32 v9, v7;
	v42 =	vadd.s32 v40, v5  }
0x4b: {  	v7 =	vsel vm13, $0xB, v41;
	v9 =	vadd.s32 $0x18, v42  }
0x4c: {  	v51 =	vadd.s32 $0x4A, v5;
	v44 =	vadd.s32 v7, v5  }
0x4d: {  	v12 =	vadd.s32 $0x24, v44;
	v10 =	vld.idx.msk [tilespmem:v10+s1+$0x0], $0xffff  }
0x4e: {  	v45 =	vadd.s32 $0x1, v6;
	v47 =	vadd.s32 $0x30, v5  }
0x4f: {  	v46 =	vadd.s32 $0x2, v6;
	v6 =	vld.idx.msk [tilespmem:v6+s8+$0x0], $0xffff;
	v43 =	vcvt.s32.f32 v17;
	v8 =	vcvt.s32.f32 v40  }
0x50: {  	v50 =	vadd.s32 $0x49, v5;
	v7 =	vcvt.s32.f32 v7;
	v5 =	vadd.s32 $0x4B, v5;
	v9 =	vld.idx.msk [tilespmem:v9+s1+$0x0], $0xffff  }
0x51: {  	v53 =	vld.idx.msk [tilespmem:v51+s1+$0x0], $0xffff;
	v11 =	vmul.f32 $5.235987900e-01, v43;
	v8 =	vmul.f32 $5.000000000e-01, v8  }
0x52: {  	v7 =	vmul.f32 $5.000000000e-01, v7;
	v12 =	vld.idx.msk [tilespmem:v12+s1+$0x0], $0xffff;
	v10 =	vmul.f32 $2.617993950e-01, v10  }
0x53: {  	v14 =	vld.idx.msk [tilespmem:v47+s1+$0x0], $0xffff;
	v8 =	vadd.f32 $2.500000000e-01, v8  }
0x54: {  	v13 =	vld.idx.msk [tilespmem:v45+s8+$0x0], $0xffff;
	v7 =	vadd.f32 $2.500000000e-01, v7;
	v10 =	vadd.f32 v11, v10  }
0x55: {  	v8 =	vadd.f32 $-3.000000000e+00, v8;
	v5 =	vld.idx.msk [tilespmem:v5+s1+$0x0], $0xffff;
	v9 =	vmul.f32 $5.000000000e-01, v9  }
0x56: {  	v7 =	vadd.f32 $-3.000000000e+00, v7;
	v11 =	vld.idx.msk [tilespmem:v46+s8+$0x0], $0xffff;
	v48 =	vand.u32 $0x7FFFFFFF, v10  }
0x57: {  	v12 =	vmul.f32 $5.000000000e-01, v12;
	v49 =	vmul.f32 v48, v0;
	v8 =	vadd.f32 v8, v9;
	_ =	sdelay $0x1  }
0x58: {  	v7 =	vadd.f32 v7, v12;
	v16 =	vfloor.f32 v49;
	v6 =	vadd.f32 v8, v6  }
0x59: {  	v58 =	vmul.f32 $1.630000000e+00, v53;
	v52 =	vld.idx.msk [tilespmem:v50+s1+$0x0], $0xffff;
	v55 =	vadd.f32 v14, v13;
	v16 =	vmul.f32 $6.283185480e+00, v16  }
0x5a: {  	s15 =	sand.u32 $0x3F0, s14;
	v5 =	vmul.f32 $3.880000110e+00, v5;
	v7 =	vadd.f32 v7, v11;
	[tilespmem:s13+$0x0] =	vst v6  }
0x5b: {  	v60 =	vadd.f32 $1.630000000e+00, v58;
	v15 =	vsub.f32 v48, v16;
	[tilespmem:s15+$0xD980] =	vst v55  }
0x5c: {  	v5 =	vadd.f32 $3.880000110e+00, v5;
	[tilespmem:s15+$0xDC00] =	vst v7  }
0x5d: {  	[tilespmem:s15+$0xE100] =	vst v60;
	vm14 =	veq.f32 v15, $6.283185480e+00  }
0x5e: {  	v56 =	vmul.f32 $1.529999970e+00, v52;
	[tilespmem:s15+$0xE380] =	vst v5;
	v54 =	vsel vm14, $0x0, v15  }
0x5f: {  	v10 =	vand.u32 $0x80000000, v10;
	[tilespmem:s15+$0xE880] =	vst v4;
	v9 =	vand.u32 $0x7FFFFFFF, v54  }
0x60: {  	[tilespmem:s15+$0xF500] =	vst v4;
	v9 =	vor.u32 v10, v9;
	v10 =	vadd.f32 $1.529999970e+00, v56  }
0x61: {  	v62 =	vmul.f32 v5, v1;
	[tilespmem:s15+$0xF780] =	vst v4  }
0x62: {  	v57 =	vadd.f32 $6.283185480e+00, v9;
	[tilespmem:s15+$0xDE80] =	vst v10;
	v10 =	vmul.f32 v10, v1  }
0x63: {  	v63 =	vsub.f32 v7, v62;
	[tilespmem:s15+$0xFA00] =	vst v4;
	vm15 =	vlt.f32 v9, $0.0e+00  }
0x64: {  	p0 =	sne.s32 s14, $0x270;
	[tilespmem:s15+$0xFC80] =	vst v4;
	v59 =	vsel vm15, v57, v9;
	v5 =	vsub.f32 v6, v10  }
.Ltmp0:
0x65: {  	[tilespmem:s15+$0xED80] =	vst v63;
	v61 =	vadd.f32 $-6.283185480e+00, v59;
	v6 =	vadd.f32 v10, v6;
	(pc) =	sbr.rel @p0 .LBB2_2-.Ltmp0, $4  }
0x66: {  	vm0 =	vgt.f32 v59, $3.141592740e+00;
	[tilespmem:s15+$0xEB00] =	vst v5  }
0x67: {  	v8 =	vsel vm0, v61, v59;
	v5 =	vadd.f32 v62, v7;
	[tilespmem:s15+$0xF000] =	vst v6  }
0x68: {  	[tilespmem:s15+$0xE600] =	vst v8  }
0x69: {  	s14 =	sadd.s32 $0x10, s14;
	s13 =	sadd.s32 $0x10, s13;
	[tilespmem:s15+$0xF280] =	vst v5  }
0x6a: {  	s12 =	sadd.s32 $0x1, s12  }
0x6b: {  	p0 =	sne.s32 s12, s6  }
.Ltmp1:
0x6c: {  	_ = 	snop;
	(pc) =	sbr.rel @p0 .LBB2_1-.Ltmp1, $4  }
0x6d: {  	[hbm4b:s5+s9] =	stream.strided.scatter [tilespmem:s11], [sflag:$0x1], $0x2800, s10, s9, $0x38;
	[tilespmem:$0xFF00] =	vst v63  }
0x6e: {  	_ =	swait.ge [sflag:s7], $0x2800  }
0x6f: {  	[sflag:s7] =	ssyncset.done $0x0  }
0x70: {  	[sflag:s7] =	ssyncadd.s32 $0xFFFFD800  }
0x71: {  	_ =	sfence.sel $0x180000  }
0x72: {  	[bflag:$0x0] =	sbarrier.arrive $0xFFFF  }
0x73: {  	p0 =	sne.s32 s2, $0x0;
	_ =	strace $0x90000047  }
0x74: {  	s0 =	sadd.s32 @!p0 $0x100000, s0;
	[bflag:$0x2] =	sbarrier.arrive $0xFFFF  }
0x75: {  	[sflag:s0] =	ssyncadd.tile.s32 @!p0 $0x1;
	_ =	shalt  }
.Lfunc_end2:
_tile_overlayer_lowered:
.L_overlay_start_2:
0x76: {  	(tag) =	ssettag $0x2  }
0x77: {  	s0 =	rddreg [dreg:$0x0];
	s2 =	stileid.u32  }
0x78: {  	s1 =	rddreg [dreg:$0x1];
	p0 =	sne.s32 s2, $0x0  }
0x79: {  	s3 =	rddreg [dreg:$0x2];
	[bflag:$0x3] =	sbarrier.arrive $0xFFFF;
	s2 =	simm.s32 @!p0 $0x1C01  }
0x7a: {  	[timem:s3], [sflag:s2] =	dma.local @!p0 [hbm:s0], s1  }
0x7b: {  	s0 =	simm.s32 @!p0 $0x1  }
0x7c: {  	_ =	swait.ge @!p0 [sflag:s0], s1  }
0x7d: {  	s1 =	ssub.s32 @!p0 $0x0, s1;
	[sflag:s0] =	ssyncset.done @!p0 $0x0  }
0x7e: {  	[sflag:s0] =	ssyncadd.s32 @!p0 s1  }
0x7f: {  	[bflag:$0x3] =	sbarrier.arrive $0xFFFF  }
0x80: {  	_ =	shalt  }

</sc_bundles>
